<compile_context>
chip_gen: v7x
topology: tpu7x:2x2x1
jax: 0.10.2.dev20260603
libtpu: 0.0.44.dev20260713+nightly
codegen_flags: <defaults>
</compile_context>

<pallas_src>
import functools

import jax
import jax.numpy as jnp
from jax.experimental import pallas as pl
from jax.experimental.pallas import tpu as pltpu
from jax.experimental.pallas import tpu_sc as plsc

_K = 16
_N = 4096
_R = 256
_NBLK = _N // _R
_NW = 32
_SEG = 4 * _N // _NW


def _topk_mask(D, iters):
    big = jnp.float32(1e30)
    for _ in range(iters):
        m = jnp.min(D, axis=1, keepdims=True)
        D = jnp.where(D == m, big, D)
    return (D >= jnp.float32(1e29)).astype(jnp.bfloat16)


def _acos(x):
    ax = jnp.abs(x)
    p = jnp.float32(-0.0012624911)
    p = p * ax + jnp.float32(0.0066700901)
    p = p * ax + jnp.float32(-0.0170881256)
    p = p * ax + jnp.float32(0.0308918810)
    p = p * ax + jnp.float32(-0.0501743046)
    p = p * ax + jnp.float32(0.0889789874)
    p = p * ax + jnp.float32(-0.2145988016)
    p = p * ax + jnp.float32(1.5707963050)
    a_pos = jnp.sqrt(jnp.maximum(1.0 - ax, 0.0)) * p
    return jnp.where(x >= 0, a_pos, jnp.float32(3.14159265358979) - a_pos)


def _eigen_ratio_block(S):
    k = jnp.float32(_K)
    mx = S[:, 0:1] / k
    my = S[:, 1:2] / k
    mz = S[:, 2:3] / k
    cxx = S[:, 3:4] / k - mx * mx
    cyy = S[:, 4:5] / k - my * my
    czz = S[:, 5:6] / k - mz * mz
    cxy = S[:, 6:7] / k - mx * my
    cxz = S[:, 7:8] / k - mx * mz
    cyz = S[:, 8:9] / k - my * mz

    q = (cxx + cyy + czz) * jnp.float32(1.0 / 3.0)
    p1 = cxy * cxy + cxz * cxz + cyz * cyz
    dxx = cxx - q
    dyy = cyy - q
    dzz = czz - q
    p2 = dxx * dxx + dyy * dyy + dzz * dzz + 2.0 * p1
    eps = jnp.float32(1e-30)
    safe = p2 > eps
    p = jnp.sqrt(jnp.maximum(p2, eps) * jnp.float32(1.0 / 6.0))
    inv_p = 1.0 / p
    b00 = dxx * inv_p
    b11 = dyy * inv_p
    b22 = dzz * inv_p
    b01 = cxy * inv_p
    b02 = cxz * inv_p
    b12 = cyz * inv_p
    detb = (b00 * (b11 * b22 - b12 * b12)
            - b01 * (b01 * b22 - b12 * b02)
            + b02 * (b01 * b12 - b11 * b02))
    r = jnp.clip(detb * 0.5, -1.0, 1.0)
    phi = _acos(r) * jnp.float32(1.0 / 3.0)
    e0 = q + 2.0 * p * jnp.cos(phi)
    e2 = q + 2.0 * p * jnp.cos(phi + jnp.float32(2.0943951023931953))
    e1 = 3.0 * q - e0 - e2
    return jnp.where(safe, e0 / e1, jnp.float32(1.0))


def _tc_body(px_ref, pxT_ref, py_ref, pyT_ref,
             er1_ref, er2_ref, idx1_ref, idx2_ref):
    iota_i = jax.lax.broadcasted_iota(jnp.int32, (_R, _N), 1)

    def er_phase(p_ref, pT_ref, er_ref):
        pT = pT_ref[0]
        pts2 = jnp.sum(pT * pT, axis=0, keepdims=True)
        pT16 = pT.astype(jnp.bfloat16)
        P = p_ref[0]
        P1 = P.astype(jnp.bfloat16)
        r1 = P - P1.astype(jnp.float32)
        P2 = r1.astype(jnp.bfloat16)
        P3 = (r1 - P2.astype(jnp.float32)).astype(jnp.bfloat16)

        def blk(i, _):
            r0 = i * _R
            a = (jnp.float32(-2.0)
                 * p_ref[0, pl.ds(r0, _R), 0:3]).astype(jnp.bfloat16)
            D = pts2 + jnp.dot(a, pT16, preferred_element_type=jnp.float32)
            rows = jax.lax.broadcasted_iota(jnp.int32, (_R, _N), 0) + r0
            D = jnp.where(iota_i == rows, jnp.float32(1e30), D)
            Mb = _topk_mask(D, _K - 1)
            S = (jnp.dot(Mb, P1, preferred_element_type=jnp.float32)
                 + jnp.dot(Mb, P2, preferred_element_type=jnp.float32)
                 + jnp.dot(Mb, P3, preferred_element_type=jnp.float32))
            er_ref[0, pl.ds(r0, _R), :] = _eigen_ratio_block(S)
            return 0

        jax.lax.fori_loop(0, _NBLK, blk, 0)

    er_phase(px_ref, pxT_ref, er1_ref)
    er_phase(py_ref, pyT_ref, er2_ref)

    def cross_phase(pa_ref, pbT_ref, idx_ref):
        pbT = pbT_ref[0]
        pts2 = jnp.sum(pbT * pbT, axis=0, keepdims=True)
        pbT16 = pbT.astype(jnp.bfloat16)

        def blk(i, _):
            r0 = i * _R
            a = (jnp.float32(-2.0)
                 * pa_ref[0, pl.ds(r0, _R), 0:3]).astype(jnp.bfloat16)
            D = pts2 + jnp.dot(a, pbT16, preferred_element_type=jnp.float32)
            m = jnp.min(D, axis=1, keepdims=True)
            key = jnp.where(D == m, iota_i, jnp.int32(2 * _N))
            amin = jnp.min(key, axis=1, keepdims=True)
            idx_ref[0, pl.ds(r0, _R), :] = amin
            return 0

        jax.lax.fori_loop(0, _NBLK, blk, 0)

    cross_phase(px_ref, pyT_ref, idx1_ref)
    cross_phase(py_ref, pxT_ref, idx2_ref)


def _sc_body(table_ref, idx_ref, era_ref, out_ref,
             idx_v, era_v, val_v, acc_v, sem):
    c = jax.lax.axis_index("c")
    s = jax.lax.axis_index("s")
    wid = s * 2 + c
    pltpu.sync_copy(idx_ref.at[wid], idx_v)
    pltpu.sync_copy(era_ref.at[wid], era_v)
    for j in range(4):
        pltpu.async_copy(table_ref.at[idx_v.at[j]],
                         val_v.at[pl.ds(j * 128, 128)], sem).wait()
    acc = jnp.zeros((16,), jnp.float32)
    for j in range(_SEG // 16):
        d = era_v[pl.ds(j * 16, 16)] - val_v[pl.ds(j * 16, 16)]
        acc = acc + d * d
    acc_v[...] = acc
    pltpu.sync_copy(acc_v, out_ref.at[wid])


def _moments(pts):
    x = pts[..., 0:1]
    y = pts[..., 1:2]
    z = pts[..., 2:3]
    zeros = jnp.zeros(pts.shape[:-1] + (7,), pts.dtype)
    return jnp.concatenate(
        [x, y, z, x * x, y * y, z * z, x * y, x * z, y * z, zeros], axis=-1)


@jax.jit
def kernel(x, y):
    B = x.shape[0]
    x3 = x[..., :3].astype(jnp.float32)
    y3 = y[..., :3].astype(jnp.float32)
    px = _moments(x3)
    py = _moments(y3)
    pxT = jnp.swapaxes(x3, 1, 2)
    pyT = jnp.swapaxes(y3, 1, 2)

    bspec_p = pl.BlockSpec((1, _N, 16), lambda b: (b, 0, 0))
    bspec_t = pl.BlockSpec((1, 3, _N), lambda b: (b, 0, 0))
    bspec_o = pl.BlockSpec((1, _N, 1), lambda b: (b, 0, 0))
    f32 = jnp.float32
    er1, er2, idx1, idx2 = pl.pallas_call(
        _tc_body,
        grid=(B,),
        in_specs=[bspec_p, bspec_t, bspec_p, bspec_t],
        out_specs=[bspec_o, bspec_o, bspec_o, bspec_o],
        out_shape=[jax.ShapeDtypeStruct((B, _N, 1), f32),
                   jax.ShapeDtypeStruct((B, _N, 1), f32),
                   jax.ShapeDtypeStruct((B, _N, 1), jnp.int32),
                   jax.ShapeDtypeStruct((B, _N, 1), jnp.int32)],
        compiler_params=pltpu.CompilerParams(
            dimension_semantics=("parallel",)),
    )(px, pxT, py, pyT)

    er1f = er1[..., 0]
    er2f = er2[..., 0]
    table = jnp.concatenate([er2f.reshape(-1), er1f.reshape(-1)])
    offs = (_N * jnp.arange(B, dtype=jnp.int32))[:, None]
    idx_all = jnp.concatenate([(idx1[..., 0] + offs).reshape(-1),
                               (idx2[..., 0] + offs + B * _N).reshape(-1)])
    era_all = jnp.concatenate([er1f.reshape(-1), er2f.reshape(-1)])

    sck = pl.kernel(
        _sc_body,
        out_type=jax.ShapeDtypeStruct((_NW, 16), f32),
        mesh=plsc.VectorSubcoreMesh(core_axis_name="c", subcore_axis_name="s"),
        scratch_types=[pltpu.VMEM((4, 128), jnp.int32),
                       pltpu.VMEM((_SEG,), f32),
                       pltpu.VMEM((_SEG,), f32),
                       pltpu.VMEM((16,), f32),
                       pltpu.SemaphoreType.DMA],
    )
    partials = sck(table,
                   idx_all.reshape(_NW, 4, 128),
                   era_all.reshape(_NW, _SEG))
    return jnp.sum(partials) * jnp.float32(0.5 / (_N * B))

# --- scband reference (transcript-rebuilt; emitter-appended) ---
"""Pipeline reference for scband-chamfer-eigen-ratio-loss-28484223107626 (READ-ONLY COPY).

The authoritative reference and input builder live on the scoring server;
editing this copy changes nothing except your own understanding.
"""

import jax, jax.numpy as jnp
import numpy as np

K = 16

def _pairwise_sqdist(a, b):
    # a: [B, N, 3], b: [B, M, 3] -> [B, N, M]
    a2 = jnp.sum(a * a, axis=-1)
    b2 = jnp.sum(b * b, axis=-1)
    return a2[:, :, None] + b2[:, None, :] - 2.0 * jnp.einsum('bnd,bmd->bnm', a, b)

def _eigen_ratio(x, k):
    # EigenRatioPerPoints: KNN(x, x), gather neighbors, per-point covariance, eigvals
    x3 = x[..., :3]
    d = _pairwise_sqdist(x3, x3)
    _, idx = jax.lax.top_k(-d, k)                     # [B, N, k] nearest (incl. self)
    neighbors = jax.vmap(lambda pts, ids: pts[ids])(x3, idx)  # [B, N, k, 3]
    neighbor_mean = jnp.mean(neighbors, axis=2, keepdims=True)
    diff = neighbors - neighbor_mean                  # [B, N, k, 3]
    cov = jnp.einsum('bnki,bnkj->bnij', diff, diff) / k  # mean over k of outer products
    evals = jnp.linalg.eigvalsh(cov)                  # ascending: [..., 3]
    lambda0 = evals[..., 2]
    lambda1 = evals[..., 1]
    return lambda0 / lambda1                          # [B, N]

def setup_inputs(seed: int = 0) -> dict:
    key = jax.random.key(seed)
    k1, k2 = jax.random.split(key)
    x = jax.random.normal(k1, (2, 4096, 3), dtype=jnp.float32)
    y = jax.random.normal(k2, (2, 4096, 3), dtype=jnp.float32)
    return {"x": x, "y": y}

def reference(x, y):
    # ChamferDistance with return_idx=True
    d = _pairwise_sqdist(x[..., :3], y[..., :3])      # [B, N, M]
    dist1 = jnp.min(d, axis=2)
    idx1 = jnp.argmin(d, axis=2)                      # [B, N]
    dist2 = jnp.min(d, axis=1)
    idx2 = jnp.argmin(d, axis=1)                      # [B, M]
    er1 = _eigen_ratio(x, K)                          # [B, N]
    er2 = _eigen_ratio(y, K)                          # [B, M]
    corr_er1 = jnp.take_along_axis(er2, idx1, axis=-1)
    corr_er2 = jnp.take_along_axis(er1, idx2, axis=-1)
    er_d1 = (er1 - corr_er1) ** 2                     # mse reduction='none'
    er_d2 = (er2 - corr_er2) ** 2
    er_d1 = jnp.mean(er_d1, axis=-1, keepdims=True)
    er_d2 = jnp.mean(er_d2, axis=-1, keepdims=True)
    dist = ((er_d1 + er_d2) * 0.5)[..., 0]            # squeeze(-1); extended=False
    return jnp.mean(dist)                             # reduction='mean'

if __name__ == "__main__":
    import jax
    _d = setup_inputs()
    print(jax.jit(kernel)(*tuple(_d.values())))

</pallas_src>

<mosaic_0001>
#map = affine_map<(d0, d1) -> (0)>
#map1 = affine_map<(d0, d1) -> (0, 0, 0)>
#map2 = affine_map<(d0, d1) -> (0, 0)>
module attributes {stable_mosaic.version = 14 : i64} {
  func.func @_sc_body(%arg0: i32, %arg1: i32, %arg2: memref<16384xf32, #tpu.memory_space<hbm>>, %arg3: memref<32x4x128xi32, #tpu.memory_space<hbm>>, %arg4: memref<32x512xf32, #tpu.memory_space<hbm>>, %arg5: memref<32x16xf32, #tpu.memory_space<hbm>>, %arg6: memref<4x128xi32, #tpu.memory_space<vmem>>, %arg7: memref<512xf32, #tpu.memory_space<vmem>>, %arg8: memref<512xf32, #tpu.memory_space<vmem>>, %arg9: memref<16xf32, #tpu.memory_space<vmem>>, %arg10: memref<!tpu.dma_semaphore, #tpu.memory_space<semaphore_mem>>) attributes {dimension_semantics = [#tpu.dimension_semantics<core_parallel>, #tpu.dimension_semantics<subcore_parallel>], iteration_bounds = array<i64: 2, 16>, scalar_prefetch = 0 : i64, scratch_operands = 5 : i64, tpu.core_type = #tpu.core_type<sc_vector_subcore>, window_params = [{transform_indices = #map}, {transform_indices = #map1}, {transform_indices = #map2}, {transform_indices = #map2}]} {
    %mul3A = arith.constant 2 : i32
    %mul3A_0 = arith.muli %arg1, %mul3A : i32
    %add3A = arith.addi %mul3A_0, %arg0 : i32
    "tpu.region"() ({
      %run_scoped3A = tpu.sem_alloc : memref<!tpu.dma_semaphore, #tpu.memory_space<semaphore_mem>>
      %dma_start3A_353 = arith.constant 0 : i32
      %dma_start3A_354 = arith.constant 0 : i32
      %dma_start3A_355 = tpu.memref_slice %arg3[%add3A, %dma_start3A_353, %dma_start3A_354] : memref<32x4x128xi32, #tpu.memory_space<hbm>> -> memref<1x4x128xi32, #tpu.memory_space<hbm>>
      %dma_start3A_356 = tpu.memref_squeeze %dma_start3A_355 : memref<1x4x128xi32, #tpu.memory_space<hbm>> -> memref<4x128xi32, #tpu.memory_space<hbm>>
      %dma_start3A_357 = arith.constant 0 : i32
      %dma_start3A_358 = arith.constant 0 : i32
      %dma_start3A_359 = tpu.memref_slice %arg3[%add3A, %dma_start3A_357, %dma_start3A_358] : memref<32x4x128xi32, #tpu.memory_space<hbm>> -> memref<1x4x128xi32, #tpu.memory_space<hbm>>
      %dma_start3A_360 = tpu.memref_squeeze %dma_start3A_359 : memref<1x4x128xi32, #tpu.memory_space<hbm>> -> memref<4x128xi32, #tpu.memory_space<hbm>>
      tpu.enqueue_dma source(%dma_start3A_360 : memref<4x128xi32, #tpu.memory_space<hbm>>) target(%arg6 : memref<4x128xi32, #tpu.memory_space<vmem>>) target_semaphore(%run_scoped3A : memref<!tpu.dma_semaphore, #tpu.memory_space<semaphore_mem>>)
      %dma_wait3A_361 = arith.constant 0 : i32
      %dma_wait3A_362 = arith.constant 0 : i32
      %dma_wait3A_363 = tpu.memref_slice %arg3[%add3A, %dma_wait3A_361, %dma_wait3A_362] : memref<32x4x128xi32, #tpu.memory_space<hbm>> -> memref<1x4x128xi32, #tpu.memory_space<hbm>>
      %dma_wait3A_364 = tpu.memref_squeeze %dma_wait3A_363 : memref<1x4x128xi32, #tpu.memory_space<hbm>> -> memref<4x128xi32, #tpu.memory_space<hbm>>
      %dma_wait3A_365 = arith.constant 0 : i32
      %dma_wait3A_366 = arith.constant 0 : i32
      %dma_wait3A_367 = tpu.memref_slice %arg3[%add3A, %dma_wait3A_365, %dma_wait3A_366] : memref<32x4x128xi32, #tpu.memory_space<hbm>> -> memref<1x4x128xi32, #tpu.memory_space<hbm>>
      %dma_wait3A_368 = tpu.memref_squeeze %dma_wait3A_367 : memref<1x4x128xi32, #tpu.memory_space<hbm>> -> memref<4x128xi32, #tpu.memory_space<hbm>>
      tpu.wait_dma2 semaphore(%run_scoped3A : memref<!tpu.dma_semaphore, #tpu.memory_space<semaphore_mem>>) src(%dma_wait3A_368 : memref<4x128xi32, #tpu.memory_space<hbm>>) dst(%arg6 : memref<4x128xi32, #tpu.memory_space<vmem>>)
      tpu.yield
    }) : () -> ()
    "tpu.region"() ({
      %run_scoped3A = tpu.sem_alloc : memref<!tpu.dma_semaphore, #tpu.memory_space<semaphore_mem>>
      %dma_start3A_353 = arith.constant 0 : i32
      %dma_start3A_354 = tpu.memref_slice %arg4[%add3A, %dma_start3A_353] : memref<32x512xf32, #tpu.memory_space<hbm>> -> memref<1x512xf32, #tpu.memory_space<hbm>>
      %dma_start3A_355 = tpu.memref_squeeze %dma_start3A_354 : memref<1x512xf32, #tpu.memory_space<hbm>> -> memref<512xf32, #tpu.memory_space<hbm>>
      %dma_start3A_356 = arith.constant 0 : i32
      %dma_start3A_357 = tpu.memref_slice %arg4[%add3A, %dma_start3A_356] : memref<32x512xf32, #tpu.memory_space<hbm>> -> memref<1x512xf32, #tpu.memory_space<hbm>>
      %dma_start3A_358 = tpu.memref_squeeze %dma_start3A_357 : memref<1x512xf32, #tpu.memory_space<hbm>> -> memref<512xf32, #tpu.memory_space<hbm>>
      tpu.enqueue_dma source(%dma_start3A_358 : memref<512xf32, #tpu.memory_space<hbm>>) target(%arg7 : memref<512xf32, #tpu.memory_space<vmem>>) target_semaphore(%run_scoped3A : memref<!tpu.dma_semaphore, #tpu.memory_space<semaphore_mem>>)
      %dma_wait3A_359 = arith.constant 0 : i32
      %dma_wait3A_360 = tpu.memref_slice %arg4[%add3A, %dma_wait3A_359] : memref<32x512xf32, #tpu.memory_space<hbm>> -> memref<1x512xf32, #tpu.memory_space<hbm>>
      %dma_wait3A_361 = tpu.memref_squeeze %dma_wait3A_360 : memref<1x512xf32, #tpu.memory_space<hbm>> -> memref<512xf32, #tpu.memory_space<hbm>>
      %dma_wait3A_362 = arith.constant 0 : i32
      %dma_wait3A_363 = tpu.memref_slice %arg4[%add3A, %dma_wait3A_362] : memref<32x512xf32, #tpu.memory_space<hbm>> -> memref<1x512xf32, #tpu.memory_space<hbm>>
      %dma_wait3A_364 = tpu.memref_squeeze %dma_wait3A_363 : memref<1x512xf32, #tpu.memory_space<hbm>> -> memref<512xf32, #tpu.memory_space<hbm>>
      tpu.wait_dma2 semaphore(%run_scoped3A : memref<!tpu.dma_semaphore, #tpu.memory_space<semaphore_mem>>) src(%dma_wait3A_364 : memref<512xf32, #tpu.memory_space<hbm>>) dst(%arg7 : memref<512xf32, #tpu.memory_space<vmem>>)
      tpu.yield
    }) : () -> ()
    %dma_start3A = arith.constant 0 : i32
    %dma_start3A_1 = arith.constant 0 : i32
    %dma_start3A_2 = tpu.memref_slice %arg8[%dma_start3A_1] : memref<512xf32, #tpu.memory_space<vmem>> -> memref<128xf32, #tpu.memory_space<vmem>>
    %dma_start3A_3 = arith.constant 0 : i32
    %dma_start3A_4 = tpu.memref_slice %arg6[%dma_start3A, %dma_start3A_3] : memref<4x128xi32, #tpu.memory_space<vmem>> -> memref<1x128xi32, #tpu.memory_space<vmem>>
    %dma_start3A_5 = tpu.memref_squeeze %dma_start3A_4 : memref<1x128xi32, #tpu.memory_space<vmem>> -> memref<128xi32, #tpu.memory_space<vmem>>
    %dma_start3A_6 = arith.constant 0 : i32
    %dma_start3A_7 = tpu.memref_slice %arg2[%dma_start3A_6] : memref<16384xf32, #tpu.memory_space<hbm>> -> memref<16384xf32, #tpu.memory_space<hbm>>
    tpu.enqueue_indirect_dma source(%dma_start3A_7 : memref<16384xf32, #tpu.memory_space<hbm>>) target(%dma_start3A_2 : memref<128xf32, #tpu.memory_space<vmem>>) offsets(%dma_start3A_5 : memref<128xi32, #tpu.memory_space<vmem>>) semaphore(%arg10 : memref<!tpu.dma_semaphore, #tpu.memory_space<semaphore_mem>>)
    %dma_wait3A = arith.constant 0 : i32
    %dma_wait3A_8 = arith.constant 0 : i32
    %dma_wait3A_9 = tpu.memref_slice %arg8[%dma_wait3A_8] : memref<512xf32, #tpu.memory_space<vmem>> -> memref<128xf32, #tpu.memory_space<vmem>>
    %dma_wait3A_10 = arith.constant 0 : i32
    %dma_wait3A_11 = tpu.memref_slice %arg6[%dma_wait3A, %dma_wait3A_10] : memref<4x128xi32, #tpu.memory_space<vmem>> -> memref<1x128xi32, #tpu.memory_space<vmem>>
    %dma_wait3A_12 = tpu.memref_squeeze %dma_wait3A_11 : memref<1x128xi32, #tpu.memory_space<vmem>> -> memref<128xi32, #tpu.memory_space<vmem>>
    %dma_wait3A_13 = arith.constant 0 : i32
    %dma_wait3A_14 = tpu.memref_slice %arg2[%dma_wait3A_13] : memref<16384xf32, #tpu.memory_space<hbm>> -> memref<16384xf32, #tpu.memory_space<hbm>>
    tpu.wait_indirect_dma semaphore(%arg10 : memref<!tpu.dma_semaphore, #tpu.memory_space<semaphore_mem>>) src(%dma_wait3A_14 : memref<16384xf32, #tpu.memory_space<hbm>>) dst(%dma_wait3A_9 : memref<128xf32, #tpu.memory_space<vmem>>)
    %dma_start3A_15 = arith.constant 1 : i32
    %dma_start3A_16 = arith.constant 128 : i32
    %dma_start3A_17 = tpu.memref_slice %arg8[%dma_start3A_16] : memref<512xf32, #tpu.memory_space<vmem>> -> memref<128xf32, #tpu.memory_space<vmem>>
    %dma_start3A_18 = arith.constant 0 : i32
    %dma_start3A_19 = tpu.memref_slice %arg6[%dma_start3A_15, %dma_start3A_18] : memref<4x128xi32, #tpu.memory_space<vmem>> -> memref<1x128xi32, #tpu.memory_space<vmem>>
    %dma_start3A_20 = tpu.memref_squeeze %dma_start3A_19 : memref<1x128xi32, #tpu.memory_space<vmem>> -> memref<128xi32, #tpu.memory_space<vmem>>
    %dma_start3A_21 = arith.constant 0 : i32
    %dma_start3A_22 = tpu.memref_slice %arg2[%dma_start3A_21] : memref<16384xf32, #tpu.memory_space<hbm>> -> memref<16384xf32, #tpu.memory_space<hbm>>
    tpu.enqueue_indirect_dma source(%dma_start3A_22 : memref<16384xf32, #tpu.memory_space<hbm>>) target(%dma_start3A_17 : memref<128xf32, #tpu.memory_space<vmem>>) offsets(%dma_start3A_20 : memref<128xi32, #tpu.memory_space<vmem>>) semaphore(%arg10 : memref<!tpu.dma_semaphore, #tpu.memory_space<semaphore_mem>>)
    %dma_wait3A_23 = arith.constant 1 : i32
    %dma_wait3A_24 = arith.constant 128 : i32
    %dma_wait3A_25 = tpu.memref_slice %arg8[%dma_wait3A_24] : memref<512xf32, #tpu.memory_space<vmem>> -> memref<128xf32, #tpu.memory_space<vmem>>
    %dma_wait3A_26 = arith.constant 0 : i32
    %dma_wait3A_27 = tpu.memref_slice %arg6[%dma_wait3A_23, %dma_wait3A_26] : memref<4x128xi32, #tpu.memory_space<vmem>> -> memref<1x128xi32, #tpu.memory_space<vmem>>
    %dma_wait3A_28 = tpu.memref_squeeze %dma_wait3A_27 : memref<1x128xi32, #tpu.memory_space<vmem>> -> memref<128xi32, #tpu.memory_space<vmem>>
    %dma_wait3A_29 = arith.constant 0 : i32
    %dma_wait3A_30 = tpu.memref_slice %arg2[%dma_wait3A_29] : memref<16384xf32, #tpu.memory_space<hbm>> -> memref<16384xf32, #tpu.memory_space<hbm>>
    tpu.wait_indirect_dma semaphore(%arg10 : memref<!tpu.dma_semaphore, #tpu.memory_space<semaphore_mem>>) src(%dma_wait3A_30 : memref<16384xf32, #tpu.memory_space<hbm>>) dst(%dma_wait3A_25 : memref<128xf32, #tpu.memory_space<vmem>>)
    %dma_start3A_31 = arith.constant 2 : i32
    %dma_start3A_32 = arith.constant 256 : i32
    %dma_start3A_33 = tpu.memref_slice %arg8[%dma_start3A_32] : memref<512xf32, #tpu.memory_space<vmem>> -> memref<128xf32, #tpu.memory_space<vmem>>
    %dma_start3A_34 = arith.constant 0 : i32
    %dma_start3A_35 = tpu.memref_slice %arg6[%dma_start3A_31, %dma_start3A_34] : memref<4x128xi32, #tpu.memory_space<vmem>> -> memref<1x128xi32, #tpu.memory_space<vmem>>
    %dma_start3A_36 = tpu.memref_squeeze %dma_start3A_35 : memref<1x128xi32, #tpu.memory_space<vmem>> -> memref<128xi32, #tpu.memory_space<vmem>>
    %dma_start3A_37 = arith.constant 0 : i32
    %dma_start3A_38 = tpu.memref_slice %arg2[%dma_start3A_37] : memref<16384xf32, #tpu.memory_space<hbm>> -> memref<16384xf32, #tpu.memory_space<hbm>>
    tpu.enqueue_indirect_dma source(%dma_start3A_38 : memref<16384xf32, #tpu.memory_space<hbm>>) target(%dma_start3A_33 : memref<128xf32, #tpu.memory_space<vmem>>) offsets(%dma_start3A_36 : memref<128xi32, #tpu.memory_space<vmem>>) semaphore(%arg10 : memref<!tpu.dma_semaphore, #tpu.memory_space<semaphore_mem>>)
    %dma_wait3A_39 = arith.constant 2 : i32
    %dma_wait3A_40 = arith.constant 256 : i32
    %dma_wait3A_41 = tpu.memref_slice %arg8[%dma_wait3A_40] : memref<512xf32, #tpu.memory_space<vmem>> -> memref<128xf32, #tpu.memory_space<vmem>>
    %dma_wait3A_42 = arith.constant 0 : i32
    %dma_wait3A_43 = tpu.memref_slice %arg6[%dma_wait3A_39, %dma_wait3A_42] : memref<4x128xi32, #tpu.memory_space<vmem>> -> memref<1x128xi32, #tpu.memory_space<vmem>>
    %dma_wait3A_44 = tpu.memref_squeeze %dma_wait3A_43 : memref<1x128xi32, #tpu.memory_space<vmem>> -> memref<128xi32, #tpu.memory_space<vmem>>
    %dma_wait3A_45 = arith.constant 0 : i32
    %dma_wait3A_46 = tpu.memref_slice %arg2[%dma_wait3A_45] : memref<16384xf32, #tpu.memory_space<hbm>> -> memref<16384xf32, #tpu.memory_space<hbm>>
    tpu.wait_indirect_dma semaphore(%arg10 : memref<!tpu.dma_semaphore, #tpu.memory_space<semaphore_mem>>) src(%dma_wait3A_46 : memref<16384xf32, #tpu.memory_space<hbm>>) dst(%dma_wait3A_41 : memref<128xf32, #tpu.memory_space<vmem>>)
    %dma_start3A_47 = arith.constant 3 : i32
    %dma_start3A_48 = arith.constant 384 : i32
    %dma_start3A_49 = tpu.memref_slice %arg8[%dma_start3A_48] : memref<512xf32, #tpu.memory_space<vmem>> -> memref<128xf32, #tpu.memory_space<vmem>>
    %dma_start3A_50 = arith.constant 0 : i32
    %dma_start3A_51 = tpu.memref_slice %arg6[%dma_start3A_47, %dma_start3A_50] : memref<4x128xi32, #tpu.memory_space<vmem>> -> memref<1x128xi32, #tpu.memory_space<vmem>>
    %dma_start3A_52 = tpu.memref_squeeze %dma_start3A_51 : memref<1x128xi32, #tpu.memory_space<vmem>> -> memref<128xi32, #tpu.memory_space<vmem>>
    %dma_start3A_53 = arith.constant 0 : i32
    %dma_start3A_54 = tpu.memref_slice %arg2[%dma_start3A_53] : memref<16384xf32, #tpu.memory_space<hbm>> -> memref<16384xf32, #tpu.memory_space<hbm>>
    tpu.enqueue_indirect_dma source(%dma_start3A_54 : memref<16384xf32, #tpu.memory_space<hbm>>) target(%dma_start3A_49 : memref<128xf32, #tpu.memory_space<vmem>>) offsets(%dma_start3A_52 : memref<128xi32, #tpu.memory_space<vmem>>) semaphore(%arg10 : memref<!tpu.dma_semaphore, #tpu.memory_space<semaphore_mem>>)
    %dma_wait3A_55 = arith.constant 3 : i32
    %dma_wait3A_56 = arith.constant 384 : i32
    %dma_wait3A_57 = tpu.memref_slice %arg8[%dma_wait3A_56] : memref<512xf32, #tpu.memory_space<vmem>> -> memref<128xf32, #tpu.memory_space<vmem>>
    %dma_wait3A_58 = arith.constant 0 : i32
    %dma_wait3A_59 = tpu.memref_slice %arg6[%dma_wait3A_55, %dma_wait3A_58] : memref<4x128xi32, #tpu.memory_space<vmem>> -> memref<1x128xi32, #tpu.memory_space<vmem>>
    %dma_wait3A_60 = tpu.memref_squeeze %dma_wait3A_59 : memref<1x128xi32, #tpu.memory_space<vmem>> -> memref<128xi32, #tpu.memory_space<vmem>>
    %dma_wait3A_61 = arith.constant 0 : i32
    %dma_wait3A_62 = tpu.memref_slice %arg2[%dma_wait3A_61] : memref<16384xf32, #tpu.memory_space<hbm>> -> memref<16384xf32, #tpu.memory_space<hbm>>
    tpu.wait_indirect_dma semaphore(%arg10 : memref<!tpu.dma_semaphore, #tpu.memory_space<semaphore_mem>>) src(%dma_wait3A_62 : memref<16384xf32, #tpu.memory_space<hbm>>) dst(%dma_wait3A_57 : memref<128xf32, #tpu.memory_space<vmem>>)
    %broadcast_in_dim3A = arith.constant 0.000000e+00 : f32
    %broadcast_in_dim3A_63 = vector.broadcast %broadcast_in_dim3A : f32 to vector<16xf32>
    %get3A = arith.constant 0 : index
    %get3A_64 = tpu.vector_load %arg7[%get3A] {strides = array<i32>} : memref<512xf32, #tpu.memory_space<vmem>>, vector<16xf32>,
    %get3A_65 = vector.shape_cast %get3A_64 : vector<16xf32> to vector<16xf32>
    %get3A_66 = arith.constant 0 : index
    %get3A_67 = tpu.vector_load %arg8[%get3A_66] {strides = array<i32>} : memref<512xf32, #tpu.memory_space<vmem>>, vector<16xf32>,
    %get3A_68 = vector.shape_cast %get3A_67 : vector<16xf32> to vector<16xf32>
    %sub3A = arith.subf %get3A_65, %get3A_68 : vector<16xf32>
    %mul3A_69 = arith.mulf %sub3A, %sub3A : vector<16xf32>
    %add3A_70 = arith.addf %broadcast_in_dim3A_63, %mul3A_69 : vector<16xf32>
    %get3A_71 = arith.constant 16 : index
    %get3A_72 = tpu.vector_load %arg7[%get3A_71] {strides = array<i32>} : memref<512xf32, #tpu.memory_space<vmem>>, vector<16xf32>,
    %get3A_73 = vector.shape_cast %get3A_72 : vector<16xf32> to vector<16xf32>
    %get3A_74 = arith.constant 16 : index
    %get3A_75 = tpu.vector_load %arg8[%get3A_74] {strides = array<i32>} : memref<512xf32, #tpu.memory_space<vmem>>, vector<16xf32>,
    %get3A_76 = vector.shape_cast %get3A_75 : vector<16xf32> to vector<16xf32>
    %sub3A_77 = arith.subf %get3A_73, %get3A_76 : vector<16xf32>
    %mul3A_78 = arith.mulf %sub3A_77, %sub3A_77 : vector<16xf32>
    %add3A_79 = arith.addf %add3A_70, %mul3A_78 : vector<16xf32>
    %get3A_80 = arith.constant 32 : index
    %get3A_81 = tpu.vector_load %arg7[%get3A_80] {strides = array<i32>} : memref<512xf32, #tpu.memory_space<vmem>>, vector<16xf32>,
    %get3A_82 = vector.shape_cast %get3A_81 : vector<16xf32> to vector<16xf32>
    %get3A_83 = arith.constant 32 : index
    %get3A_84 = tpu.vector_load %arg8[%get3A_83] {strides = array<i32>} : memref<512xf32, #tpu.memory_space<vmem>>, vector<16xf32>,
    %get3A_85 = vector.shape_cast %get3A_84 : vector<16xf32> to vector<16xf32>
    %sub3A_86 = arith.subf %get3A_82, %get3A_85 : vector<16xf32>
    %mul3A_87 = arith.mulf %sub3A_86, %sub3A_86 : vector<16xf32>
    %add3A_88 = arith.addf %add3A_79, %mul3A_87 : vector<16xf32>
    %get3A_89 = arith.constant 48 : index
    %get3A_90 = tpu.vector_load %arg7[%get3A_89] {strides = array<i32>} : memref<512xf32, #tpu.memory_space<vmem>>, vector<16xf32>,
    %get3A_91 = vector.shape_cast %get3A_90 : vector<16xf32> to vector<16xf32>
    %get3A_92 = arith.constant 48 : index
    %get3A_93 = tpu.vector_load %arg8[%get3A_92] {strides = array<i32>} : memref<512xf32, #tpu.memory_space<vmem>>, vector<16xf32>,
    %get3A_94 = vector.shape_cast %get3A_93 : vector<16xf32> to vector<16xf32>
    %sub3A_95 = arith.subf %get3A_91, %get3A_94 : vector<16xf32>
    %mul3A_96 = arith.mulf %sub3A_95, %sub3A_95 : vector<16xf32>
    %add3A_97 = arith.addf %add3A_88, %mul3A_96 : vector<16xf32>
    %get3A_98 = arith.constant 64 : index
    %get3A_99 = tpu.vector_load %arg7[%get3A_98] {strides = array<i32>} : memref<512xf32, #tpu.memory_space<vmem>>, vector<16xf32>,
    %get3A_100 = vector.shape_cast %get3A_99 : vector<16xf32> to vector<16xf32>
    %get3A_101 = arith.constant 64 : index
    %get3A_102 = tpu.vector_load %arg8[%get3A_101] {strides = array<i32>} : memref<512xf32, #tpu.memory_space<vmem>>, vector<16xf32>,
    %get3A_103 = vector.shape_cast %get3A_102 : vector<16xf32> to vector<16xf32>
    %sub3A_104 = arith.subf %get3A_100, %get3A_103 : vector<16xf32>
    %mul3A_105 = arith.mulf %sub3A_104, %sub3A_104 : vector<16xf32>
    %add3A_106 = arith.addf %add3A_97, %mul3A_105 : vector<16xf32>
    %get3A_107 = arith.constant 80 : index
    %get3A_108 = tpu.vector_load %arg7[%get3A_107] {strides = array<i32>} : memref<512xf32, #tpu.memory_space<vmem>>, vector<16xf32>,
    %get3A_109 = vector.shape_cast %get3A_108 : vector<16xf32> to vector<16xf32>
    %get3A_110 = arith.constant 80 : index
    %get3A_111 = tpu.vector_load %arg8[%get3A_110] {strides = array<i32>} : memref<512xf32, #tpu.memory_space<vmem>>, vector<16xf32>,
    %get3A_112 = vector.shape_cast %get3A_111 : vector<16xf32> to vector<16xf32>
    %sub3A_113 = arith.subf %get3A_109, %get3A_112 : vector<16xf32>
    %mul3A_114 = arith.mulf %sub3A_113, %sub3A_113 : vector<16xf32>
    %add3A_115 = arith.addf %add3A_106, %mul3A_114 : vector<16xf32>
    %get3A_116 = arith.constant 96 : index
    %get3A_117 = tpu.vector_load %arg7[%get3A_116] {strides = array<i32>} : memref<512xf32, #tpu.memory_space<vmem>>, vector<16xf32>,
    %get3A_118 = vector.shape_cast %get3A_117 : vector<16xf32> to vector<16xf32>
    %get3A_119 = arith.constant 96 : index
    %get3A_120 = tpu.vector_load %arg8[%get3A_119] {strides = array<i32>} : memref<512xf32, #tpu.memory_space<vmem>>, vector<16xf32>,
    %get3A_121 = vector.shape_cast %get3A_120 : vector<16xf32> to vector<16xf32>
    %sub3A_122 = arith.subf %get3A_118, %get3A_121 : vector<16xf32>
    %mul3A_123 = arith.mulf %sub3A_122, %sub3A_122 : vector<16xf32>
    %add3A_124 = arith.addf %add3A_115, %mul3A_123 : vector<16xf32>
    %get3A_125 = arith.constant 112 : index
    %get3A_126 = tpu.vector_load %arg7[%get3A_125] {strides = array<i32>} : memref<512xf32, #tpu.memory_space<vmem>>, vector<16xf32>,
    %get3A_127 = vector.shape_cast %get3A_126 : vector<16xf32> to vector<16xf32>
    %get3A_128 = arith.constant 112 : index
    %get3A_129 = tpu.vector_load %arg8[%get3A_128] {strides = array<i32>} : memref<512xf32, #tpu.memory_space<vmem>>, vector<16xf32>,
    %get3A_130 = vector.shape_cast %get3A_129 : vector<16xf32> to vector<16xf32>
    %sub3A_131 = arith.subf %get3A_127, %get3A_130 : vector<16xf32>
    %mul3A_132 = arith.mulf %sub3A_131, %sub3A_131 : vector<16xf32>
    %add3A_133 = arith.addf %add3A_124, %mul3A_132 : vector<16xf32>
    %get3A_134 = arith.constant 128 : index
    %get3A_135 = tpu.vector_load %arg7[%get3A_134] {strides = array<i32>} : memref<512xf32, #tpu.memory_space<vmem>>, vector<16xf32>,
    %get3A_136 = vector.shape_cast %get3A_135 : vector<16xf32> to vector<16xf32>
    %get3A_137 = arith.constant 128 : index
    %get3A_138 = tpu.vector_load %arg8[%get3A_137] {strides = array<i32>} : memref<512xf32, #tpu.memory_space<vmem>>, vector<16xf32>,
    %get3A_139 = vector.shape_cast %get3A_138 : vector<16xf32> to vector<16xf32>
    %sub3A_140 = arith.subf %get3A_136, %get3A_139 : vector<16xf32>
    %mul3A_141 = arith.mulf %sub3A_140, %sub3A_140 : vector<16xf32>
    %add3A_142 = arith.addf %add3A_133, %mul3A_141 : vector<16xf32>
    %get3A_143 = arith.constant 144 : index
    %get3A_144 = tpu.vector_load %arg7[%get3A_143] {strides = array<i32>} : memref<512xf32, #tpu.memory_space<vmem>>, vector<16xf32>,
    %get3A_145 = vector.shape_cast %get3A_144 : vector<16xf32> to vector<16xf32>
    %get3A_146 = arith.constant 144 : index
    %get3A_147 = tpu.vector_load %arg8[%get3A_146] {strides = array<i32>} : memref<512xf32, #tpu.memory_space<vmem>>, vector<16xf32>,
    %get3A_148 = vector.shape_cast %get3A_147 : vector<16xf32> to vector<16xf32>
    %sub3A_149 = arith.subf %get3A_145, %get3A_148 : vector<16xf32>
    %mul3A_150 = arith.mulf %sub3A_149, %sub3A_149 : vector<16xf32>
    %add3A_151 = arith.addf %add3A_142, %mul3A_150 : vector<16xf32>
    %get3A_152 = arith.constant 160 : index
    %get3A_153 = tpu.vector_load %arg7[%get3A_152] {strides = array<i32>} : memref<512xf32, #tpu.memory_space<vmem>>, vector<16xf32>,
    %get3A_154 = vector.shape_cast %get3A_153 : vector<16xf32> to vector<16xf32>
    %get3A_155 = arith.constant 160 : index
    %get3A_156 = tpu.vector_load %arg8[%get3A_155] {strides = array<i32>} : memref<512xf32, #tpu.memory_space<vmem>>, vector<16xf32>,
    %get3A_157 = vector.shape_cast %get3A_156 : vector<16xf32> to vector<16xf32>
    %sub3A_158 = arith.subf %get3A_154, %get3A_157 : vector<16xf32>
    %mul3A_159 = arith.mulf %sub3A_158, %sub3A_158 : vector<16xf32>
    %add3A_160 = arith.addf %add3A_151, %mul3A_159 : vector<16xf32>
    %get3A_161 = arith.constant 176 : index
    %get3A_162 = tpu.vector_load %arg7[%get3A_161] {strides = array<i32>} : memref<512xf32, #tpu.memory_space<vmem>>, vector<16xf32>,
    %get3A_163 = vector.shape_cast %get3A_162 : vector<16xf32> to vector<16xf32>
    %get3A_164 = arith.constant 176 : index
    %get3A_165 = tpu.vector_load %arg8[%get3A_164] {strides = array<i32>} : memref<512xf32, #tpu.memory_space<vmem>>, vector<16xf32>,
    %get3A_166 = vector.shape_cast %get3A_165 : vector<16xf32> to vector<16xf32>
    %sub3A_167 = arith.subf %get3A_163, %get3A_166 : vector<16xf32>
    %mul3A_168 = arith.mulf %sub3A_167, %sub3A_167 : vector<16xf32>
    %add3A_169 = arith.addf %add3A_160, %mul3A_168 : vector<16xf32>
    %get3A_170 = arith.constant 192 : index
    %get3A_171 = tpu.vector_load %arg7[%get3A_170] {strides = array<i32>} : memref<512xf32, #tpu.memory_space<vmem>>, vector<16xf32>,
    %get3A_172 = vector.shape_cast %get3A_171 : vector<16xf32> to vector<16xf32>
    %get3A_173 = arith.constant 192 : index
    %get3A_174 = tpu.vector_load %arg8[%get3A_173] {strides = array<i32>} : memref<512xf32, #tpu.memory_space<vmem>>, vector<16xf32>,
    %get3A_175 = vector.shape_cast %get3A_174 : vector<16xf32> to vector<16xf32>
    %sub3A_176 = arith.subf %get3A_172, %get3A_175 : vector<16xf32>
    %mul3A_177 = arith.mulf %sub3A_176, %sub3A_176 : vector<16xf32>
    %add3A_178 = arith.addf %add3A_169, %mul3A_177 : vector<16xf32>
    %get3A_179 = arith.constant 208 : index
    %get3A_180 = tpu.vector_load %arg7[%get3A_179] {strides = array<i32>} : memref<512xf32, #tpu.memory_space<vmem>>, vector<16xf32>,
    %get3A_181 = vector.shape_cast %get3A_180 : vector<16xf32> to vector<16xf32>
    %get3A_182 = arith.constant 208 : index
    %get3A_183 = tpu.vector_load %arg8[%get3A_182] {strides = array<i32>} : memref<512xf32, #tpu.memory_space<vmem>>, vector<16xf32>,
    %get3A_184 = vector.shape_cast %get3A_183 : vector<16xf32> to vector<16xf32>
    %sub3A_185 = arith.subf %get3A_181, %get3A_184 : vector<16xf32>
    %mul3A_186 = arith.mulf %sub3A_185, %sub3A_185 : vector<16xf32>
    %add3A_187 = arith.addf %add3A_178, %mul3A_186 : vector<16xf32>
    %get3A_188 = arith.constant 224 : index
    %get3A_189 = tpu.vector_load %arg7[%get3A_188] {strides = array<i32>} : memref<512xf32, #tpu.memory_space<vmem>>, vector<16xf32>,
    %get3A_190 = vector.shape_cast %get3A_189 : vector<16xf32> to vector<16xf32>
    %get3A_191 = arith.constant 224 : index
    %get3A_192 = tpu.vector_load %arg8[%get3A_191] {strides = array<i32>} : memref<512xf32, #tpu.memory_space<vmem>>, vector<16xf32>,
    %get3A_193 = vector.shape_cast %get3A_192 : vector<16xf32> to vector<16xf32>
    %sub3A_194 = arith.subf %get3A_190, %get3A_193 : vector<16xf32>
    %mul3A_195 = arith.mulf %sub3A_194, %sub3A_194 : vector<16xf32>
    %add3A_196 = arith.addf %add3A_187, %mul3A_195 : vector<16xf32>
    %get3A_197 = arith.constant 240 : index
    %get3A_198 = tpu.vector_load %arg7[%get3A_197] {strides = array<i32>} : memref<512xf32, #tpu.memory_space<vmem>>, vector<16xf32>,
    %get3A_199 = vector.shape_cast %get3A_198 : vector<16xf32> to vector<16xf32>
    %get3A_200 = arith.constant 240 : index
    %get3A_201 = tpu.vector_load %arg8[%get3A_200] {strides = array<i32>} : memref<512xf32, #tpu.memory_space<vmem>>, vector<16xf32>,
    %get3A_202 = vector.shape_cast %get3A_201 : vector<16xf32> to vector<16xf32>
    %sub3A_203 = arith.subf %get3A_199, %get3A_202 : vector<16xf32>
    %mul3A_204 = arith.mulf %sub3A_203, %sub3A_203 : vector<16xf32>
    %add3A_205 = arith.addf %add3A_196, %mul3A_204 : vector<16xf32>
    %get3A_206 = arith.constant 256 : index
    %get3A_207 = tpu.vector_load %arg7[%get3A_206] {strides = array<i32>} : memref<512xf32, #tpu.memory_space<vmem>>, vector<16xf32>,
    %get3A_208 = vector.shape_cast %get3A_207 : vector<16xf32> to vector<16xf32>
    %get3A_209 = arith.constant 256 : index
    %get3A_210 = tpu.vector_load %arg8[%get3A_209] {strides = array<i32>} : memref<512xf32, #tpu.memory_space<vmem>>, vector<16xf32>,
    %get3A_211 = vector.shape_cast %get3A_210 : vector<16xf32> to vector<16xf32>
    %sub3A_212 = arith.subf %get3A_208, %get3A_211 : vector<16xf32>
    %mul3A_213 = arith.mulf %sub3A_212, %sub3A_212 : vector<16xf32>
    %add3A_214 = arith.addf %add3A_205, %mul3A_213 : vector<16xf32>
    %get3A_215 = arith.constant 272 : index
    %get3A_216 = tpu.vector_load %arg7[%get3A_215] {strides = array<i32>} : memref<512xf32, #tpu.memory_space<vmem>>, vector<16xf32>,
    %get3A_217 = vector.shape_cast %get3A_216 : vector<16xf32> to vector<16xf32>
    %get3A_218 = arith.constant 272 : index
    %get3A_219 = tpu.vector_load %arg8[%get3A_218] {strides = array<i32>} : memref<512xf32, #tpu.memory_space<vmem>>, vector<16xf32>,
    %get3A_220 = vector.shape_cast %get3A_219 : vector<16xf32> to vector<16xf32>
    %sub3A_221 = arith.subf %get3A_217, %get3A_220 : vector<16xf32>
    %mul3A_222 = arith.mulf %sub3A_221, %sub3A_221 : vector<16xf32>
    %add3A_223 = arith.addf %add3A_214, %mul3A_222 : vector<16xf32>
    %get3A_224 = arith.constant 288 : index
    %get3A_225 = tpu.vector_load %arg7[%get3A_224] {strides = array<i32>} : memref<512xf32, #tpu.memory_space<vmem>>, vector<16xf32>,
    %get3A_226 = vector.shape_cast %get3A_225 : vector<16xf32> to vector<16xf32>
    %get3A_227 = arith.constant 288 : index
    %get3A_228 = tpu.vector_load %arg8[%get3A_227] {strides = array<i32>} : memref<512xf32, #tpu.memory_space<vmem>>, vector<16xf32>,
    %get3A_229 = vector.shape_cast %get3A_228 : vector<16xf32> to vector<16xf32>
    %sub3A_230 = arith.subf %get3A_226, %get3A_229 : vector<16xf32>
    %mul3A_231 = arith.mulf %sub3A_230, %sub3A_230 : vector<16xf32>
    %add3A_232 = arith.addf %add3A_223, %mul3A_231 : vector<16xf32>
    %get3A_233 = arith.constant 304 : index
    %get3A_234 = tpu.vector_load %arg7[%get3A_233] {strides = array<i32>} : memref<512xf32, #tpu.memory_space<vmem>>, vector<16xf32>,
    %get3A_235 = vector.shape_cast %get3A_234 : vector<16xf32> to vector<16xf32>
    %get3A_236 = arith.constant 304 : index
    %get3A_237 = tpu.vector_load %arg8[%get3A_236] {strides = array<i32>} : memref<512xf32, #tpu.memory_space<vmem>>, vector<16xf32>,
    %get3A_238 = vector.shape_cast %get3A_237 : vector<16xf32> to vector<16xf32>
    %sub3A_239 = arith.subf %get3A_235, %get3A_238 : vector<16xf32>
    %mul3A_240 = arith.mulf %sub3A_239, %sub3A_239 : vector<16xf32>
    %add3A_241 = arith.addf %add3A_232, %mul3A_240 : vector<16xf32>
    %get3A_242 = arith.constant 320 : index
    %get3A_243 = tpu.vector_load %arg7[%get3A_242] {strides = array<i32>} : memref<512xf32, #tpu.memory_space<vmem>>, vector<16xf32>,
    %get3A_244 = vector.shape_cast %get3A_243 : vector<16xf32> to vector<16xf32>
    %get3A_245 = arith.constant 320 : index
    %get3A_246 = tpu.vector_load %arg8[%get3A_245] {strides = array<i32>} : memref<512xf32, #tpu.memory_space<vmem>>, vector<16xf32>,
    %get3A_247 = vector.shape_cast %get3A_246 : vector<16xf32> to vector<16xf32>
    %sub3A_248 = arith.subf %get3A_244, %get3A_247 : vector<16xf32>
    %mul3A_249 = arith.mulf %sub3A_248, %sub3A_248 : vector<16xf32>
    %add3A_250 = arith.addf %add3A_241, %mul3A_249 : vector<16xf32>
    %get3A_251 = arith.constant 336 : index
    %get3A_252 = tpu.vector_load %arg7[%get3A_251] {strides = array<i32>} : memref<512xf32, #tpu.memory_space<vmem>>, vector<16xf32>,
    %get3A_253 = vector.shape_cast %get3A_252 : vector<16xf32> to vector<16xf32>
    %get3A_254 = arith.constant 336 : index
    %get3A_255 = tpu.vector_load %arg8[%get3A_254] {strides = array<i32>} : memref<512xf32, #tpu.memory_space<vmem>>, vector<16xf32>,
    %get3A_256 = vector.shape_cast %get3A_255 : vector<16xf32> to vector<16xf32>
    %sub3A_257 = arith.subf %get3A_253, %get3A_256 : vector<16xf32>
    %mul3A_258 = arith.mulf %sub3A_257, %sub3A_257 : vector<16xf32>
    %add3A_259 = arith.addf %add3A_250, %mul3A_258 : vector<16xf32>
    %get3A_260 = arith.constant 352 : index
    %get3A_261 = tpu.vector_load %arg7[%get3A_260] {strides = array<i32>} : memref<512xf32, #tpu.memory_space<vmem>>, vector<16xf32>,
    %get3A_262 = vector.shape_cast %get3A_261 : vector<16xf32> to vector<16xf32>
    %get3A_263 = arith.constant 352 : index
    %get3A_264 = tpu.vector_load %arg8[%get3A_263] {strides = array<i32>} : memref<512xf32, #tpu.memory_space<vmem>>, vector<16xf32>,
    %get3A_265 = vector.shape_cast %get3A_264 : vector<16xf32> to vector<16xf32>
    %sub3A_266 = arith.subf %get3A_262, %get3A_265 : vector<16xf32>
    %mul3A_267 = arith.mulf %sub3A_266, %sub3A_266 : vector<16xf32>
    %add3A_268 = arith.addf %add3A_259, %mul3A_267 : vector<16xf32>
    %get3A_269 = arith.constant 368 : index
    %get3A_270 = tpu.vector_load %arg7[%get3A_269] {strides = array<i32>} : memref<512xf32, #tpu.memory_space<vmem>>, vector<16xf32>,
    %get3A_271 = vector.shape_cast %get3A_270 : vector<16xf32> to vector<16xf32>
    %get3A_272 = arith.constant 368 : index
    %get3A_273 = tpu.vector_load %arg8[%get3A_272] {strides = array<i32>} : memref<512xf32, #tpu.memory_space<vmem>>, vector<16xf32>,
    %get3A_274 = vector.shape_cast %get3A_273 : vector<16xf32> to vector<16xf32>
    %sub3A_275 = arith.subf %get3A_271, %get3A_274 : vector<16xf32>
    %mul3A_276 = arith.mulf %sub3A_275, %sub3A_275 : vector<16xf32>
    %add3A_277 = arith.addf %add3A_268, %mul3A_276 : vector<16xf32>
    %get3A_278 = arith.constant 384 : index
    %get3A_279 = tpu.vector_load %arg7[%get3A_278] {strides = array<i32>} : memref<512xf32, #tpu.memory_space<vmem>>, vector<16xf32>,
    %get3A_280 = vector.shape_cast %get3A_279 : vector<16xf32> to vector<16xf32>
    %get3A_281 = arith.constant 384 : index
    %get3A_282 = tpu.vector_load %arg8[%get3A_281] {strides = array<i32>} : memref<512xf32, #tpu.memory_space<vmem>>, vector<16xf32>,
    %get3A_283 = vector.shape_cast %get3A_282 : vector<16xf32> to vector<16xf32>
    %sub3A_284 = arith.subf %get3A_280, %get3A_283 : vector<16xf32>
    %mul3A_285 = arith.mulf %sub3A_284, %sub3A_284 : vector<16xf32>
    %add3A_286 = arith.addf %add3A_277, %mul3A_285 : vector<16xf32>
    %get3A_287 = arith.constant 400 : index
    %get3A_288 = tpu.vector_load %arg7[%get3A_287] {strides = array<i32>} : memref<512xf32, #tpu.memory_space<vmem>>, vector<16xf32>,
    %get3A_289 = vector.shape_cast %get3A_288 : vector<16xf32> to vector<16xf32>
    %get3A_290 = arith.constant 400 : index
    %get3A_291 = tpu.vector_load %arg8[%get3A_290] {strides = array<i32>} : memref<512xf32, #tpu.memory_space<vmem>>, vector<16xf32>,
    %get3A_292 = vector.shape_cast %get3A_291 : vector<16xf32> to vector<16xf32>
    %sub3A_293 = arith.subf %get3A_289, %get3A_292 : vector<16xf32>
    %mul3A_294 = arith.mulf %sub3A_293, %sub3A_293 : vector<16xf32>
    %add3A_295 = arith.addf %add3A_286, %mul3A_294 : vector<16xf32>
    %get3A_296 = arith.constant 416 : index
    %get3A_297 = tpu.vector_load %arg7[%get3A_296] {strides = array<i32>} : memref<512xf32, #tpu.memory_space<vmem>>, vector<16xf32>,
    %get3A_298 = vector.shape_cast %get3A_297 : vector<16xf32> to vector<16xf32>
    %get3A_299 = arith.constant 416 : index
    %get3A_300 = tpu.vector_load %arg8[%get3A_299] {strides = array<i32>} : memref<512xf32, #tpu.memory_space<vmem>>, vector<16xf32>,
    %get3A_301 = vector.shape_cast %get3A_300 : vector<16xf32> to vector<16xf32>
    %sub3A_302 = arith.subf %get3A_298, %get3A_301 : vector<16xf32>
    %mul3A_303 = arith.mulf %sub3A_302, %sub3A_302 : vector<16xf32>
    %add3A_304 = arith.addf %add3A_295, %mul3A_303 : vector<16xf32>
    %get3A_305 = arith.constant 432 : index
    %get3A_306 = tpu.vector_load %arg7[%get3A_305] {strides = array<i32>} : memref<512xf32, #tpu.memory_space<vmem>>, vector<16xf32>,
    %get3A_307 = vector.shape_cast %get3A_306 : vector<16xf32> to vector<16xf32>
    %get3A_308 = arith.constant 432 : index
    %get3A_309 = tpu.vector_load %arg8[%get3A_308] {strides = array<i32>} : memref<512xf32, #tpu.memory_space<vmem>>, vector<16xf32>,
    %get3A_310 = vector.shape_cast %get3A_309 : vector<16xf32> to vector<16xf32>
    %sub3A_311 = arith.subf %get3A_307, %get3A_310 : vector<16xf32>
    %mul3A_312 = arith.mulf %sub3A_311, %sub3A_311 : vector<16xf32>
    %add3A_313 = arith.addf %add3A_304, %mul3A_312 : vector<16xf32>
    %get3A_314 = arith.constant 448 : index
    %get3A_315 = tpu.vector_load %arg7[%get3A_314] {strides = array<i32>} : memref<512xf32, #tpu.memory_space<vmem>>, vector<16xf32>,
    %get3A_316 = vector.shape_cast %get3A_315 : vector<16xf32> to vector<16xf32>
    %get3A_317 = arith.constant 448 : index
    %get3A_318 = tpu.vector_load %arg8[%get3A_317] {strides = array<i32>} : memref<512xf32, #tpu.memory_space<vmem>>, vector<16xf32>,
    %get3A_319 = vector.shape_cast %get3A_318 : vector<16xf32> to vector<16xf32>
    %sub3A_320 = arith.subf %get3A_316, %get3A_319 : vector<16xf32>
    %mul3A_321 = arith.mulf %sub3A_320, %sub3A_320 : vector<16xf32>
    %add3A_322 = arith.addf %add3A_313, %mul3A_321 : vector<16xf32>
    %get3A_323 = arith.constant 464 : index
    %get3A_324 = tpu.vector_load %arg7[%get3A_323] {strides = array<i32>} : memref<512xf32, #tpu.memory_space<vmem>>, vector<16xf32>,
    %get3A_325 = vector.shape_cast %get3A_324 : vector<16xf32> to vector<16xf32>
    %get3A_326 = arith.constant 464 : index
    %get3A_327 = tpu.vector_load %arg8[%get3A_326] {strides = array<i32>} : memref<512xf32, #tpu.memory_space<vmem>>, vector<16xf32>,
    %get3A_328 = vector.shape_cast %get3A_327 : vector<16xf32> to vector<16xf32>
    %sub3A_329 = arith.subf %get3A_325, %get3A_328 : vector<16xf32>
    %mul3A_330 = arith.mulf %sub3A_329, %sub3A_329 : vector<16xf32>
    %add3A_331 = arith.addf %add3A_322, %mul3A_330 : vector<16xf32>
    %get3A_332 = arith.constant 480 : index
    %get3A_333 = tpu.vector_load %arg7[%get3A_332] {strides = array<i32>} : memref<512xf32, #tpu.memory_space<vmem>>, vector<16xf32>,
    %get3A_334 = vector.shape_cast %get3A_333 : vector<16xf32> to vector<16xf32>
    %get3A_335 = arith.constant 480 : index
    %get3A_336 = tpu.vector_load %arg8[%get3A_335] {strides = array<i32>} : memref<512xf32, #tpu.memory_space<vmem>>, vector<16xf32>,
    %get3A_337 = vector.shape_cast %get3A_336 : vector<16xf32> to vector<16xf32>
    %sub3A_338 = arith.subf %get3A_334, %get3A_337 : vector<16xf32>
    %mul3A_339 = arith.mulf %sub3A_338, %sub3A_338 : vector<16xf32>
    %add3A_340 = arith.addf %add3A_331, %mul3A_339 : vector<16xf32>
    %get3A_341 = arith.constant 496 : index
    %get3A_342 = tpu.vector_load %arg7[%get3A_341] {strides = array<i32>} : memref<512xf32, #tpu.memory_space<vmem>>, vector<16xf32>,
    %get3A_343 = vector.shape_cast %get3A_342 : vector<16xf32> to vector<16xf32>
    %get3A_344 = arith.constant 496 : index
    %get3A_345 = tpu.vector_load %arg8[%get3A_344] {strides = array<i32>} : memref<512xf32, #tpu.memory_space<vmem>>, vector<16xf32>,
    %get3A_346 = vector.shape_cast %get3A_345 : vector<16xf32> to vector<16xf32>
    %sub3A_347 = arith.subf %get3A_343, %get3A_346 : vector<16xf32>
    %mul3A_348 = arith.mulf %sub3A_347, %sub3A_347 : vector<16xf32>
    %add3A_349 = arith.addf %add3A_340, %mul3A_348 : vector<16xf32>
    %swap3A = arith.constant 0 : index
    %swap3A_350 = tpu.vector_load %arg9[%swap3A] {strides = array<i32>} : memref<16xf32, #tpu.memory_space<vmem>>, vector<16xf32>,
    %swap3A_351 = vector.shape_cast %swap3A_350 : vector<16xf32> to vector<16xf32>
    %swap3A_352 = vector.shape_cast %add3A_349 : vector<16xf32> to vector<16xf32>
    tpu.vector_store %arg9[%swap3A], %swap3A_352 {strides = array<i32>} : memref<16xf32, #tpu.memory_space<vmem>>, vector<16xf32>,
    "tpu.region"() ({
      %run_scoped3A = tpu.sem_alloc : memref<!tpu.dma_semaphore, #tpu.memory_space<semaphore_mem>>
      %dma_start3A_353 = arith.constant 0 : i32
      %dma_start3A_354 = tpu.memref_slice %arg5[%add3A, %dma_start3A_353] : memref<32x16xf32, #tpu.memory_space<hbm>> -> memref<1x16xf32, #tpu.memory_space<hbm>>
      %dma_start3A_355 = tpu.memref_squeeze %dma_start3A_354 : memref<1x16xf32, #tpu.memory_space<hbm>> -> memref<16xf32, #tpu.memory_space<hbm>>
      %dma_start3A_356 = arith.constant 0 : i32
      %dma_start3A_357 = tpu.memref_slice %arg5[%add3A, %dma_start3A_356] : memref<32x16xf32, #tpu.memory_space<hbm>> -> memref<1x16xf32, #tpu.memory_space<hbm>>
      %dma_start3A_358 = tpu.memref_squeeze %dma_start3A_357 : memref<1x16xf32, #tpu.memory_space<hbm>> -> memref<16xf32, #tpu.memory_space<hbm>>
      tpu.enqueue_dma source(%arg9 : memref<16xf32, #tpu.memory_space<vmem>>) target(%dma_start3A_358 : memref<16xf32, #tpu.memory_space<hbm>>) target_semaphore(%run_scoped3A : memref<!tpu.dma_semaphore, #tpu.memory_space<semaphore_mem>>)
      %dma_wait3A_359 = arith.constant 0 : i32
      %dma_wait3A_360 = tpu.memref_slice %arg5[%add3A, %dma_wait3A_359] : memref<32x16xf32, #tpu.memory_space<hbm>> -> memref<1x16xf32, #tpu.memory_space<hbm>>
      %dma_wait3A_361 = tpu.memref_squeeze %dma_wait3A_360 : memref<1x16xf32, #tpu.memory_space<hbm>> -> memref<16xf32, #tpu.memory_space<hbm>>
      %dma_wait3A_362 = arith.constant 0 : i32
      %dma_wait3A_363 = tpu.memref_slice %arg5[%add3A, %dma_wait3A_362] : memref<32x16xf32, #tpu.memory_space<hbm>> -> memref<1x16xf32, #tpu.memory_space<hbm>>
      %dma_wait3A_364 = tpu.memref_squeeze %dma_wait3A_363 : memref<1x16xf32, #tpu.memory_space<hbm>> -> memref<16xf32, #tpu.memory_space<hbm>>
      tpu.wait_dma2 semaphore(%run_scoped3A : memref<!tpu.dma_semaphore, #tpu.memory_space<semaphore_mem>>) src(%arg9 : memref<16xf32, #tpu.memory_space<vmem>>) dst(%dma_wait3A_364 : memref<16xf32, #tpu.memory_space<hbm>>)
      tpu.yield
    }) : () -> ()
    return
  }
}

module attributes {stable_mosaic.version = 14 : i64} {
  func.func @_tc_body(%arg0: i32, %arg1: memref<1x4096x16xf32, #tpu.memory_space<vmem>>, %arg2: memref<1x3x4096xf32, #tpu.memory_space<vmem>>, %arg3: memref<1x4096x16xf32, #tpu.memory_space<vmem>>, %arg4: memref<1x3x4096xf32, #tpu.memory_space<vmem>>, %arg5: memref<1x4096x1xf32, #tpu.memory_space<vmem>>, %arg6: memref<1x4096x1xf32, #tpu.memory_space<vmem>>, %arg7: memref<1x4096x1xi32, #tpu.memory_space<vmem>>, %arg8: memref<1x4096x1xi32, #tpu.memory_space<vmem>>) attributes {dimension_semantics = [#tpu.dimension_semantics<parallel>], iteration_bounds = array<i64: 2>, scalar_prefetch = 0 : i64, scratch_operands = 0 : i64, tpu.core_type = #tpu.core_type<tc>, window_params = [{transform_indices = @transform_0, window_bounds = array<i64: 1, 4096, 16>}, {transform_indices = @transform_1, window_bounds = array<i64: 1, 3, 4096>}, {transform_indices = @transform_2, window_bounds = array<i64: 1, 4096, 16>}, {transform_indices = @transform_3, window_bounds = array<i64: 1, 3, 4096>}, {transform_indices = @transform_4, window_bounds = array<i64: 1, 4096, 1>}, {transform_indices = @transform_5, window_bounds = array<i64: 1, 4096, 1>}, {transform_indices = @transform_6, window_bounds = array<i64: 1, 4096, 1>}, {transform_indices = @transform_7, window_bounds = array<i64: 1, 4096, 1>}]} {
    %iota3A = tpu.iota {dimensions = array<i32: 1>} : vector<256x4096xi32>
    %get3A = arith.constant 0 : index
    %get3A_0 = arith.constant 0 : index
    %get3A_1 = arith.constant 0 : index
    %get3A_2 = vector.load %arg2[%get3A, %get3A_0, %get3A_1] : memref<1x3x4096xf32, #tpu.memory_space<vmem>>, vector<1x3x4096xf32>
    %get3A_3 = vector.shape_cast %get3A_2 : vector<1x3x4096xf32> to vector<3x4096xf32>
    %mul3A = arith.mulf %get3A_3, %get3A_3 : vector<3x4096xf32>
    %reduce_sum3A = arith.constant dense<0.000000e+00> : vector<4096xf32>
    %reduce_sum3A_4 = vector.multi_reduction <add>, %mul3A, %reduce_sum3A [0] : vector<3x4096xf32> to vector<4096xf32>
    %broadcast_in_dim3A = vector.shape_cast %reduce_sum3A_4 : vector<4096xf32> to vector<1x4096xf32>
    %convert_element_type3A = arith.truncf %get3A_3 : vector<3x4096xf32> to vector<3x4096xbf16>
    %get3A_5 = arith.constant 0 : index
    %get3A_6 = arith.constant 0 : index
    %get3A_7 = arith.constant 0 : index
    %get3A_8 = vector.load %arg1[%get3A_5, %get3A_6, %get3A_7] : memref<1x4096x16xf32, #tpu.memory_space<vmem>>, vector<1x4096x16xf32>
    %get3A_9 = vector.shape_cast %get3A_8 : vector<1x4096x16xf32> to vector<4096x16xf32>
    %convert_element_type3A_10 = arith.truncf %get3A_9 : vector<4096x16xf32> to vector<4096x16xbf16>
    %convert_element_type3A_11 = arith.extf %convert_element_type3A_10 : vector<4096x16xbf16> to vector<4096x16xf32>
    %sub3A = arith.subf %get3A_9, %convert_element_type3A_11 : vector<4096x16xf32>
    %convert_element_type3A_12 = arith.truncf %sub3A : vector<4096x16xf32> to vector<4096x16xbf16>
    %convert_element_type3A_13 = arith.extf %convert_element_type3A_12 : vector<4096x16xbf16> to vector<4096x16xf32>
    %sub3A_14 = arith.subf %sub3A, %convert_element_type3A_13 : vector<4096x16xf32>
    %convert_element_type3A_15 = arith.truncf %sub3A_14 : vector<4096x16xf32> to vector<4096x16xbf16>
    %scan3A = arith.constant 0 : i32
    %scan3A_16 = arith.constant 16 : i32
    %scan3A_17 = arith.addi %scan3A, %scan3A_16 : i32
    %scan3A_18 = arith.constant 1 : i32
    scf.for %scan3A_77 = %scan3A to %scan3A_17 step %scan3A_18  : i32 {
      %mul3A_78 = arith.constant 256 : i32
      %mul3A_79 = arith.muli %scan3A_77, %mul3A_78 : i32
      %get3A_80 = arith.constant 0 : index
      %get3A_81 = arith.index_cast %mul3A_79 : i32 to index
      %get3A_82 = arith.constant 0 : index
      %get3A_83 = vector.load %arg1[%get3A_80, %get3A_81, %get3A_82] : memref<1x4096x16xf32, #tpu.memory_space<vmem>>, vector<1x256x3xf32>
      %get3A_84 = vector.shape_cast %get3A_83 : vector<1x256x3xf32> to vector<256x3xf32>
      %mul3A_85 = arith.constant -2.000000e+00 : f32
      %mul3A_86 = vector.broadcast %mul3A_85 : f32 to vector<256x3xf32>
      %mul3A_87 = arith.mulf %mul3A_86, %get3A_84 : vector<256x3xf32>
      %convert_element_type3A_88 = arith.truncf %mul3A_87 : vector<256x3xf32> to vector<256x3xbf16>
      %dot_general3A = arith.constant dense<0.000000e+00> : vector<256x4096xf32>
      %dot_general3A_89 = tpu.matmul %convert_element_type3A_88, %convert_element_type3A, %dot_general3A {dimension_numbers = #tpu.dot_dimension_numbers<[1], [0], [0], [1], [0, 0, 1, 1], [], []>, transpose_lhs_hint = false} : vector<256x3xbf16>, vector<3x4096xbf16>, vector<256x4096xf32> -> vector<256x4096xf32>
      %add3A = vector.broadcast %broadcast_in_dim3A : vector<1x4096xf32> to vector<256x4096xf32>
      %add3A_90 = arith.addf %add3A, %dot_general3A_89 : vector<256x4096xf32>
      %iota3A_91 = tpu.iota {dimensions = array<i32: 0>} : vector<256x4096xi32>
      %add3A_92 = vector.broadcast %mul3A_79 : i32 to vector<256x4096xi32>
      %add3A_93 = arith.addi %iota3A_91, %add3A_92 : vector<256x4096xi32>
      %eq3A = arith.cmpi eq, %iota3A, %add3A_93 : vector<256x4096xi32>
      %jit3A = arith.constant 1.000000e+30 : f32
      %broadcast_in_dim3A_94 = vector.broadcast %jit3A : f32 to vector<256x4096xf32>
      %select_n3A = arith.select %eq3A, %broadcast_in_dim3A_94, %add3A_90 : vector<256x4096xi1>, vector<256x4096xf32>
      %reduce_min3A = arith.constant dense<0x7F800000> : vector<256xf32>
      %reduce_min3A_95 = vector.multi_reduction <minimumf>, %select_n3A, %reduce_min3A [1] : vector<256x4096xf32> to vector<256xf32>
      %broadcast_in_dim3A_96 = vector.shape_cast %reduce_min3A_95 : vector<256xf32> to vector<256x1xf32>
      %eq3A_97 = vector.broadcast %broadcast_in_dim3A_96 : vector<256x1xf32> to vector<256x4096xf32>
      %eq3A_98 = arith.cmpf oeq, %select_n3A, %eq3A_97 : vector<256x4096xf32>
      %jit3A_99 = arith.constant 1.000000e+30 : f32
      %broadcast_in_dim3A_100 = vector.broadcast %jit3A_99 : f32 to vector<256x4096xf32>
      %select_n3A_101 = arith.select %eq3A_98, %broadcast_in_dim3A_100, %select_n3A : vector<256x4096xi1>, vector<256x4096xf32>
      %reduce_min3A_102 = arith.constant dense<0x7F800000> : vector<256xf32>
      %reduce_min3A_103 = vector.multi_reduction <minimumf>, %select_n3A_101, %reduce_min3A_102 [1] : vector<256x4096xf32> to vector<256xf32>
      %broadcast_in_dim3A_104 = vector.shape_cast %reduce_min3A_103 : vector<256xf32> to vector<256x1xf32>
      %eq3A_105 = vector.broadcast %broadcast_in_dim3A_104 : vector<256x1xf32> to vector<256x4096xf32>
      %eq3A_106 = arith.cmpf oeq, %select_n3A_101, %eq3A_105 : vector<256x4096xf32>
      %jit3A_107 = arith.constant 1.000000e+30 : f32
      %broadcast_in_dim3A_108 = vector.broadcast %jit3A_107 : f32 to vector<256x4096xf32>
      %select_n3A_109 = arith.select %eq3A_106, %broadcast_in_dim3A_108, %select_n3A_101 : vector<256x4096xi1>, vector<256x4096xf32>
      %reduce_min3A_110 = arith.constant dense<0x7F800000> : vector<256xf32>
      %reduce_min3A_111 = vector.multi_reduction <minimumf>, %select_n3A_109, %reduce_min3A_110 [1] : vector<256x4096xf32> to vector<256xf32>
      %broadcast_in_dim3A_112 = vector.shape_cast %reduce_min3A_111 : vector<256xf32> to vector<256x1xf32>
      %eq3A_113 = vector.broadcast %broadcast_in_dim3A_112 : vector<256x1xf32> to vector<256x4096xf32>
      %eq3A_114 = arith.cmpf oeq, %select_n3A_109, %eq3A_113 : vector<256x4096xf32>
      %jit3A_115 = arith.constant 1.000000e+30 : f32
      %broadcast_in_dim3A_116 = vector.broadcast %jit3A_115 : f32 to vector<256x4096xf32>
      %select_n3A_117 = arith.select %eq3A_114, %broadcast_in_dim3A_116, %select_n3A_109 : vector<256x4096xi1>, vector<256x4096xf32>
      %reduce_min3A_118 = arith.constant dense<0x7F800000> : vector<256xf32>
      %reduce_min3A_119 = vector.multi_reduction <minimumf>, %select_n3A_117, %reduce_min3A_118 [1] : vector<256x4096xf32> to vector<256xf32>
      %broadcast_in_dim3A_120 = vector.shape_cast %reduce_min3A_119 : vector<256xf32> to vector<256x1xf32>
      %eq3A_121 = vector.broadcast %broadcast_in_dim3A_120 : vector<256x1xf32> to vector<256x4096xf32>
      %eq3A_122 = arith.cmpf oeq, %select_n3A_117, %eq3A_121 : vector<256x4096xf32>
      %jit3A_123 = arith.constant 1.000000e+30 : f32
      %broadcast_in_dim3A_124 = vector.broadcast %jit3A_123 : f32 to vector<256x4096xf32>
      %select_n3A_125 = arith.select %eq3A_122, %broadcast_in_dim3A_124, %select_n3A_117 : vector<256x4096xi1>, vector<256x4096xf32>
      %reduce_min3A_126 = arith.constant dense<0x7F800000> : vector<256xf32>
      %reduce_min3A_127 = vector.multi_reduction <minimumf>, %select_n3A_125, %reduce_min3A_126 [1] : vector<256x4096xf32> to vector<256xf32>
      %broadcast_in_dim3A_128 = vector.shape_cast %reduce_min3A_127 : vector<256xf32> to vector<256x1xf32>
      %eq3A_129 = vector.broadcast %broadcast_in_dim3A_128 : vector<256x1xf32> to vector<256x4096xf32>
      %eq3A_130 = arith.cmpf oeq, %select_n3A_125, %eq3A_129 : vector<256x4096xf32>
      %jit3A_131 = arith.constant 1.000000e+30 : f32
      %broadcast_in_dim3A_132 = vector.broadcast %jit3A_131 : f32 to vector<256x4096xf32>
      %select_n3A_133 = arith.select %eq3A_130, %broadcast_in_dim3A_132, %select_n3A_125 : vector<256x4096xi1>, vector<256x4096xf32>
      %reduce_min3A_134 = arith.constant dense<0x7F800000> : vector<256xf32>
      %reduce_min3A_135 = vector.multi_reduction <minimumf>, %select_n3A_133, %reduce_min3A_134 [1] : vector<256x4096xf32> to vector<256xf32>
      %broadcast_in_dim3A_136 = vector.shape_cast %reduce_min3A_135 : vector<256xf32> to vector<256x1xf32>
      %eq3A_137 = vector.broadcast %broadcast_in_dim3A_136 : vector<256x1xf32> to vector<256x4096xf32>
      %eq3A_138 = arith.cmpf oeq, %select_n3A_133, %eq3A_137 : vector<256x4096xf32>
      %jit3A_139 = arith.constant 1.000000e+30 : f32
      %broadcast_in_dim3A_140 = vector.broadcast %jit3A_139 : f32 to vector<256x4096xf32>
      %select_n3A_141 = arith.select %eq3A_138, %broadcast_in_dim3A_140, %select_n3A_133 : vector<256x4096xi1>, vector<256x4096xf32>
      %reduce_min3A_142 = arith.constant dense<0x7F800000> : vector<256xf32>
      %reduce_min3A_143 = vector.multi_reduction <minimumf>, %select_n3A_141, %reduce_min3A_142 [1] : vector<256x4096xf32> to vector<256xf32>
      %broadcast_in_dim3A_144 = vector.shape_cast %reduce_min3A_143 : vector<256xf32> to vector<256x1xf32>
      %eq3A_145 = vector.broadcast %broadcast_in_dim3A_144 : vector<256x1xf32> to vector<256x4096xf32>
      %eq3A_146 = arith.cmpf oeq, %select_n3A_141, %eq3A_145 : vector<256x4096xf32>
      %jit3A_147 = arith.constant 1.000000e+30 : f32
      %broadcast_in_dim3A_148 = vector.broadcast %jit3A_147 : f32 to vector<256x4096xf32>
      %select_n3A_149 = arith.select %eq3A_146, %broadcast_in_dim3A_148, %select_n3A_141 : vector<256x4096xi1>, vector<256x4096xf32>
      %reduce_min3A_150 = arith.constant dense<0x7F800000> : vector<256xf32>
      %reduce_min3A_151 = vector.multi_reduction <minimumf>, %select_n3A_149, %reduce_min3A_150 [1] : vector<256x4096xf32> to vector<256xf32>
      %broadcast_in_dim3A_152 = vector.shape_cast %reduce_min3A_151 : vector<256xf32> to vector<256x1xf32>
      %eq3A_153 = vector.broadcast %broadcast_in_dim3A_152 : vector<256x1xf32> to vector<256x4096xf32>
      %eq3A_154 = arith.cmpf oeq, %select_n3A_149, %eq3A_153 : vector<256x4096xf32>
      %jit3A_155 = arith.constant 1.000000e+30 : f32
      %broadcast_in_dim3A_156 = vector.broadcast %jit3A_155 : f32 to vector<256x4096xf32>
      %select_n3A_157 = arith.select %eq3A_154, %broadcast_in_dim3A_156, %select_n3A_149 : vector<256x4096xi1>, vector<256x4096xf32>
      %reduce_min3A_158 = arith.constant dense<0x7F800000> : vector<256xf32>
      %reduce_min3A_159 = vector.multi_reduction <minimumf>, %select_n3A_157, %reduce_min3A_158 [1] : vector<256x4096xf32> to vector<256xf32>
      %broadcast_in_dim3A_160 = vector.shape_cast %reduce_min3A_159 : vector<256xf32> to vector<256x1xf32>
      %eq3A_161 = vector.broadcast %broadcast_in_dim3A_160 : vector<256x1xf32> to vector<256x4096xf32>
      %eq3A_162 = arith.cmpf oeq, %select_n3A_157, %eq3A_161 : vector<256x4096xf32>
      %jit3A_163 = arith.constant 1.000000e+30 : f32
      %broadcast_in_dim3A_164 = vector.broadcast %jit3A_163 : f32 to vector<256x4096xf32>
      %select_n3A_165 = arith.select %eq3A_162, %broadcast_in_dim3A_164, %select_n3A_157 : vector<256x4096xi1>, vector<256x4096xf32>
      %reduce_min3A_166 = arith.constant dense<0x7F800000> : vector<256xf32>
      %reduce_min3A_167 = vector.multi_reduction <minimumf>, %select_n3A_165, %reduce_min3A_166 [1] : vector<256x4096xf32> to vector<256xf32>
      %broadcast_in_dim3A_168 = vector.shape_cast %reduce_min3A_167 : vector<256xf32> to vector<256x1xf32>
      %eq3A_169 = vector.broadcast %broadcast_in_dim3A_168 : vector<256x1xf32> to vector<256x4096xf32>
      %eq3A_170 = arith.cmpf oeq, %select_n3A_165, %eq3A_169 : vector<256x4096xf32>
      %jit3A_171 = arith.constant 1.000000e+30 : f32
      %broadcast_in_dim3A_172 = vector.broadcast %jit3A_171 : f32 to vector<256x4096xf32>
      %select_n3A_173 = arith.select %eq3A_170, %broadcast_in_dim3A_172, %select_n3A_165 : vector<256x4096xi1>, vector<256x4096xf32>
      %reduce_min3A_174 = arith.constant dense<0x7F800000> : vector<256xf32>
      %reduce_min3A_175 = vector.multi_reduction <minimumf>, %select_n3A_173, %reduce_min3A_174 [1] : vector<256x4096xf32> to vector<256xf32>
      %broadcast_in_dim3A_176 = vector.shape_cast %reduce_min3A_175 : vector<256xf32> to vector<256x1xf32>
      %eq3A_177 = vector.broadcast %broadcast_in_dim3A_176 : vector<256x1xf32> to vector<256x4096xf32>
      %eq3A_178 = arith.cmpf oeq, %select_n3A_173, %eq3A_177 : vector<256x4096xf32>
      %jit3A_179 = arith.constant 1.000000e+30 : f32
      %broadcast_in_dim3A_180 = vector.broadcast %jit3A_179 : f32 to vector<256x4096xf32>
      %select_n3A_181 = arith.select %eq3A_178, %broadcast_in_dim3A_180, %select_n3A_173 : vector<256x4096xi1>, vector<256x4096xf32>
      %reduce_min3A_182 = arith.constant dense<0x7F800000> : vector<256xf32>
      %reduce_min3A_183 = vector.multi_reduction <minimumf>, %select_n3A_181, %reduce_min3A_182 [1] : vector<256x4096xf32> to vector<256xf32>
      %broadcast_in_dim3A_184 = vector.shape_cast %reduce_min3A_183 : vector<256xf32> to vector<256x1xf32>
      %eq3A_185 = vector.broadcast %broadcast_in_dim3A_184 : vector<256x1xf32> to vector<256x4096xf32>
      %eq3A_186 = arith.cmpf oeq, %select_n3A_181, %eq3A_185 : vector<256x4096xf32>
      %jit3A_187 = arith.constant 1.000000e+30 : f32
      %broadcast_in_dim3A_188 = vector.broadcast %jit3A_187 : f32 to vector<256x4096xf32>
      %select_n3A_189 = arith.select %eq3A_186, %broadcast_in_dim3A_188, %select_n3A_181 : vector<256x4096xi1>, vector<256x4096xf32>
      %reduce_min3A_190 = arith.constant dense<0x7F800000> : vector<256xf32>
      %reduce_min3A_191 = vector.multi_reduction <minimumf>, %select_n3A_189, %reduce_min3A_190 [1] : vector<256x4096xf32> to vector<256xf32>
      %broadcast_in_dim3A_192 = vector.shape_cast %reduce_min3A_191 : vector<256xf32> to vector<256x1xf32>
      %eq3A_193 = vector.broadcast %broadcast_in_dim3A_192 : vector<256x1xf32> to vector<256x4096xf32>
      %eq3A_194 = arith.cmpf oeq, %select_n3A_189, %eq3A_193 : vector<256x4096xf32>
      %jit3A_195 = arith.constant 1.000000e+30 : f32
      %broadcast_in_dim3A_196 = vector.broadcast %jit3A_195 : f32 to vector<256x4096xf32>
      %select_n3A_197 = arith.select %eq3A_194, %broadcast_in_dim3A_196, %select_n3A_189 : vector<256x4096xi1>, vector<256x4096xf32>
      %reduce_min3A_198 = arith.constant dense<0x7F800000> : vector<256xf32>
      %reduce_min3A_199 = vector.multi_reduction <minimumf>, %select_n3A_197, %reduce_min3A_198 [1] : vector<256x4096xf32> to vector<256xf32>
      %broadcast_in_dim3A_200 = vector.shape_cast %reduce_min3A_199 : vector<256xf32> to vector<256x1xf32>
      %eq3A_201 = vector.broadcast %broadcast_in_dim3A_200 : vector<256x1xf32> to vector<256x4096xf32>
      %eq3A_202 = arith.cmpf oeq, %select_n3A_197, %eq3A_201 : vector<256x4096xf32>
      %jit3A_203 = arith.constant 1.000000e+30 : f32
      %broadcast_in_dim3A_204 = vector.broadcast %jit3A_203 : f32 to vector<256x4096xf32>
      %select_n3A_205 = arith.select %eq3A_202, %broadcast_in_dim3A_204, %select_n3A_197 : vector<256x4096xi1>, vector<256x4096xf32>
      %reduce_min3A_206 = arith.constant dense<0x7F800000> : vector<256xf32>
      %reduce_min3A_207 = vector.multi_reduction <minimumf>, %select_n3A_205, %reduce_min3A_206 [1] : vector<256x4096xf32> to vector<256xf32>
      %broadcast_in_dim3A_208 = vector.shape_cast %reduce_min3A_207 : vector<256xf32> to vector<256x1xf32>
      %eq3A_209 = vector.broadcast %broadcast_in_dim3A_208 : vector<256x1xf32> to vector<256x4096xf32>
      %eq3A_210 = arith.cmpf oeq, %select_n3A_205, %eq3A_209 : vector<256x4096xf32>
      %jit3A_211 = arith.constant 1.000000e+30 : f32
      %broadcast_in_dim3A_212 = vector.broadcast %jit3A_211 : f32 to vector<256x4096xf32>
      %select_n3A_213 = arith.select %eq3A_210, %broadcast_in_dim3A_212, %select_n3A_205 : vector<256x4096xi1>, vector<256x4096xf32>
      %ge3A = arith.constant 1.000000e+29 : f32
      %ge3A_214 = vector.broadcast %ge3A : f32 to vector<256x4096xf32>
      %ge3A_215 = arith.cmpf oge, %select_n3A_213, %ge3A_214 : vector<256x4096xf32>
      %convert_element_type3A_216 = arith.extui %ge3A_215 : vector<256x4096xi1> to vector<256x4096xi32>
      %convert_element_type3A_217 = arith.sitofp %convert_element_type3A_216 : vector<256x4096xi32> to vector<256x4096xf32>
      %convert_element_type3A_218 = arith.truncf %convert_element_type3A_217 : vector<256x4096xf32> to vector<256x4096xbf16>
      %dot_general3A_219 = arith.constant dense<0.000000e+00> : vector<256x16xf32>
      %dot_general3A_220 = tpu.matmul %convert_element_type3A_218, %convert_element_type3A_10, %dot_general3A_219 {dimension_numbers = #tpu.dot_dimension_numbers<[1], [0], [0], [1], [0, 0, 1, 1], [], []>, transpose_lhs_hint = false} : vector<256x4096xbf16>, vector<4096x16xbf16>, vector<256x16xf32> -> vector<256x16xf32>
      %dot_general3A_221 = arith.constant dense<0.000000e+00> : vector<256x16xf32>
      %dot_general3A_222 = tpu.matmul %convert_element_type3A_218, %convert_element_type3A_12, %dot_general3A_221 {dimension_numbers = #tpu.dot_dimension_numbers<[1], [0], [0], [1], [0, 0, 1, 1], [], []>, transpose_lhs_hint = false} : vector<256x4096xbf16>, vector<4096x16xbf16>, vector<256x16xf32> -> vector<256x16xf32>
      %add3A_223 = arith.addf %dot_general3A_220, %dot_general3A_222 : vector<256x16xf32>
      %dot_general3A_224 = arith.constant dense<0.000000e+00> : vector<256x16xf32>
      %dot_general3A_225 = tpu.matmul %convert_element_type3A_218, %convert_element_type3A_15, %dot_general3A_224 {dimension_numbers = #tpu.dot_dimension_numbers<[1], [0], [0], [1], [0, 0, 1, 1], [], []>, transpose_lhs_hint = false} : vector<256x4096xbf16>, vector<4096x16xbf16>, vector<256x16xf32> -> vector<256x16xf32>
      %add3A_226 = arith.addf %add3A_223, %dot_general3A_225 : vector<256x16xf32>
      %slice3A = vector.extract_strided_slice %add3A_226 {offsets = [0, 0], sizes = [256, 1], strides = [1, 1]} : vector<256x16xf32> to vector<256x1xf32>
      %div3A = arith.constant 1.600000e+01 : f32
      %div3A_227 = vector.broadcast %div3A : f32 to vector<256x1xf32>
      %div3A_228 = arith.divf %slice3A, %div3A_227 : vector<256x1xf32>
      %slice3A_229 = vector.extract_strided_slice %add3A_226 {offsets = [0, 1], sizes = [256, 1], strides = [1, 1]} : vector<256x16xf32> to vector<256x1xf32>
      %div3A_230 = arith.constant 1.600000e+01 : f32
      %div3A_231 = vector.broadcast %div3A_230 : f32 to vector<256x1xf32>
      %div3A_232 = arith.divf %slice3A_229, %div3A_231 : vector<256x1xf32>
      %slice3A_233 = vector.extract_strided_slice %add3A_226 {offsets = [0, 2], sizes = [256, 1], strides = [1, 1]} : vector<256x16xf32> to vector<256x1xf32>
      %div3A_234 = arith.constant 1.600000e+01 : f32
      %div3A_235 = vector.broadcast %div3A_234 : f32 to vector<256x1xf32>
      %div3A_236 = arith.divf %slice3A_233, %div3A_235 : vector<256x1xf32>
      %slice3A_237 = vector.extract_strided_slice %add3A_226 {offsets = [0, 3], sizes = [256, 1], strides = [1, 1]} : vector<256x16xf32> to vector<256x1xf32>
      %div3A_238 = arith.constant 1.600000e+01 : f32
      %div3A_239 = vector.broadcast %div3A_238 : f32 to vector<256x1xf32>
      %div3A_240 = arith.divf %slice3A_237, %div3A_239 : vector<256x1xf32>
      %mul3A_241 = arith.mulf %div3A_228, %div3A_228 : vector<256x1xf32>
      %sub3A_242 = arith.subf %div3A_240, %mul3A_241 : vector<256x1xf32>
      %slice3A_243 = vector.extract_strided_slice %add3A_226 {offsets = [0, 4], sizes = [256, 1], strides = [1, 1]} : vector<256x16xf32> to vector<256x1xf32>
      %div3A_244 = arith.constant 1.600000e+01 : f32
      %div3A_245 = vector.broadcast %div3A_244 : f32 to vector<256x1xf32>
      %div3A_246 = arith.divf %slice3A_243, %div3A_245 : vector<256x1xf32>
      %mul3A_247 = arith.mulf %div3A_232, %div3A_232 : vector<256x1xf32>
      %sub3A_248 = arith.subf %div3A_246, %mul3A_247 : vector<256x1xf32>
      %slice3A_249 = vector.extract_strided_slice %add3A_226 {offsets = [0, 5], sizes = [256, 1], strides = [1, 1]} : vector<256x16xf32> to vector<256x1xf32>
      %div3A_250 = arith.constant 1.600000e+01 : f32
      %div3A_251 = vector.broadcast %div3A_250 : f32 to vector<256x1xf32>
      %div3A_252 = arith.divf %slice3A_249, %div3A_251 : vector<256x1xf32>
      %mul3A_253 = arith.mulf %div3A_236, %div3A_236 : vector<256x1xf32>
      %sub3A_254 = arith.subf %div3A_252, %mul3A_253 : vector<256x1xf32>
      %slice3A_255 = vector.extract_strided_slice %add3A_226 {offsets = [0, 6], sizes = [256, 1], strides = [1, 1]} : vector<256x16xf32> to vector<256x1xf32>
      %div3A_256 = arith.constant 1.600000e+01 : f32
      %div3A_257 = vector.broadcast %div3A_256 : f32 to vector<256x1xf32>
      %div3A_258 = arith.divf %slice3A_255, %div3A_257 : vector<256x1xf32>
      %mul3A_259 = arith.mulf %div3A_228, %div3A_232 : vector<256x1xf32>
      %sub3A_260 = arith.subf %div3A_258, %mul3A_259 : vector<256x1xf32>
      %slice3A_261 = vector.extract_strided_slice %add3A_226 {offsets = [0, 7], sizes = [256, 1], strides = [1, 1]} : vector<256x16xf32> to vector<256x1xf32>
      %div3A_262 = arith.constant 1.600000e+01 : f32
      %div3A_263 = vector.broadcast %div3A_262 : f32 to vector<256x1xf32>
      %div3A_264 = arith.divf %slice3A_261, %div3A_263 : vector<256x1xf32>
      %mul3A_265 = arith.mulf %div3A_228, %div3A_236 : vector<256x1xf32>
      %sub3A_266 = arith.subf %div3A_264, %mul3A_265 : vector<256x1xf32>
      %slice3A_267 = vector.extract_strided_slice %add3A_226 {offsets = [0, 8], sizes = [256, 1], strides = [1, 1]} : vector<256x16xf32> to vector<256x1xf32>
      %div3A_268 = arith.constant 1.600000e+01 : f32
      %div3A_269 = vector.broadcast %div3A_268 : f32 to vector<256x1xf32>
      %div3A_270 = arith.divf %slice3A_267, %div3A_269 : vector<256x1xf32>
      %mul3A_271 = arith.mulf %div3A_232, %div3A_236 : vector<256x1xf32>
      %sub3A_272 = arith.subf %div3A_270, %mul3A_271 : vector<256x1xf32>
      %add3A_273 = arith.addf %sub3A_242, %sub3A_248 : vector<256x1xf32>
      %add3A_274 = arith.addf %add3A_273, %sub3A_254 : vector<256x1xf32>
      %mul3A_275 = arith.constant 0.333333343 : f32
      %mul3A_276 = vector.broadcast %mul3A_275 : f32 to vector<256x1xf32>
      %mul3A_277 = arith.mulf %add3A_274, %mul3A_276 : vector<256x1xf32>
      %mul3A_278 = arith.mulf %sub3A_260, %sub3A_260 : vector<256x1xf32>
      %mul3A_279 = arith.mulf %sub3A_266, %sub3A_266 : vector<256x1xf32>
      %add3A_280 = arith.addf %mul3A_278, %mul3A_279 : vector<256x1xf32>
      %mul3A_281 = arith.mulf %sub3A_272, %sub3A_272 : vector<256x1xf32>
      %add3A_282 = arith.addf %add3A_280, %mul3A_281 : vector<256x1xf32>
      %sub3A_283 = arith.subf %sub3A_242, %mul3A_277 : vector<256x1xf32>
      %sub3A_284 = arith.subf %sub3A_248, %mul3A_277 : vector<256x1xf32>
      %sub3A_285 = arith.subf %sub3A_254, %mul3A_277 : vector<256x1xf32>
      %mul3A_286 = arith.mulf %sub3A_283, %sub3A_283 : vector<256x1xf32>
      %mul3A_287 = arith.mulf %sub3A_284, %sub3A_284 : vector<256x1xf32>
      %add3A_288 = arith.addf %mul3A_286, %mul3A_287 : vector<256x1xf32>
      %mul3A_289 = arith.mulf %sub3A_285, %sub3A_285 : vector<256x1xf32>
      %add3A_290 = arith.addf %add3A_288, %mul3A_289 : vector<256x1xf32>
      %mul3A_291 = arith.constant 2.000000e+00 : f32
      %mul3A_292 = vector.broadcast %mul3A_291 : f32 to vector<256x1xf32>
      %mul3A_293 = arith.mulf %mul3A_292, %add3A_282 : vector<256x1xf32>
      %add3A_294 = arith.addf %add3A_290, %mul3A_293 : vector<256x1xf32>
      %gt3A = arith.constant 1.000000e-30 : f32
      %gt3A_295 = vector.broadcast %gt3A : f32 to vector<256x1xf32>
      %gt3A_296 = arith.cmpf ogt, %add3A_294, %gt3A_295 : vector<256x1xf32>
      %max3A = arith.constant 1.000000e-30 : f32
      %max3A_297 = vector.broadcast %max3A : f32 to vector<256x1xf32>
      %max3A_298 = arith.maximumf %add3A_294, %max3A_297 : vector<256x1xf32>
      %mul3A_299 = arith.constant 0.166666672 : f32
      %mul3A_300 = vector.broadcast %mul3A_299 : f32 to vector<256x1xf32>
      %mul3A_301 = arith.mulf %max3A_298, %mul3A_300 : vector<256x1xf32>
      %sqrt3A = math.sqrt %mul3A_301 : vector<256x1xf32>
      %div3A_302 = arith.constant 1.000000e+00 : f32
      %div3A_303 = vector.broadcast %div3A_302 : f32 to vector<256x1xf32>
      %div3A_304 = arith.divf %div3A_303, %sqrt3A : vector<256x1xf32>
      %mul3A_305 = arith.mulf %sub3A_283, %div3A_304 : vector<256x1xf32>
      %mul3A_306 = arith.mulf %sub3A_284, %div3A_304 : vector<256x1xf32>
      %mul3A_307 = arith.mulf %sub3A_285, %div3A_304 : vector<256x1xf32>
      %mul3A_308 = arith.mulf %sub3A_260, %div3A_304 : vector<256x1xf32>
      %mul3A_309 = arith.mulf %sub3A_266, %div3A_304 : vector<256x1xf32>
      %mul3A_310 = arith.mulf %sub3A_272, %div3A_304 : vector<256x1xf32>
      %mul3A_311 = arith.mulf %mul3A_306, %mul3A_307 : vector<256x1xf32>
      %mul3A_312 = arith.mulf %mul3A_310, %mul3A_310 : vector<256x1xf32>
      %sub3A_313 = arith.subf %mul3A_311, %mul3A_312 : vector<256x1xf32>
      %mul3A_314 = arith.mulf %mul3A_305, %sub3A_313 : vector<256x1xf32>
      %mul3A_315 = arith.mulf %mul3A_308, %mul3A_307 : vector<256x1xf32>
      %mul3A_316 = arith.mulf %mul3A_310, %mul3A_309 : vector<256x1xf32>
      %sub3A_317 = arith.subf %mul3A_315, %mul3A_316 : vector<256x1xf32>
      %mul3A_318 = arith.mulf %mul3A_308, %sub3A_317 : vector<256x1xf32>
      %sub3A_319 = arith.subf %mul3A_314, %mul3A_318 : vector<256x1xf32>
      %mul3A_320 = arith.mulf %mul3A_308, %mul3A_310 : vector<256x1xf32>
      %mul3A_321 = arith.mulf %mul3A_306, %mul3A_309 : vector<256x1xf32>
      %sub3A_322 = arith.subf %mul3A_320, %mul3A_321 : vector<256x1xf32>
      %mul3A_323 = arith.mulf %mul3A_309, %sub3A_322 : vector<256x1xf32>
      %add3A_324 = arith.addf %sub3A_319, %mul3A_323 : vector<256x1xf32>
      %mul3A_325 = arith.constant 5.000000e-01 : f32
      %mul3A_326 = vector.broadcast %mul3A_325 : f32 to vector<256x1xf32>
      %mul3A_327 = arith.mulf %add3A_324, %mul3A_326 : vector<256x1xf32>
      %jit3A_328 = arith.constant -1.000000e+00 : f32
      %jit3A_329 = arith.constant 1.000000e+00 : f32
      %max3A_330 = vector.broadcast %jit3A_328 : f32 to vector<256x1xf32>
      %max3A_331 = arith.maximumf %max3A_330, %mul3A_327 : vector<256x1xf32>
      %min3A = vector.broadcast %jit3A_329 : f32 to vector<256x1xf32>
      %min3A_332 = arith.minimumf %min3A, %max3A_331 : vector<256x1xf32>
      %abs3A = math.absf %min3A_332 : vector<256x1xf32>
      %mul3A_333 = arith.constant -0.0012624911 : f32
      %mul3A_334 = vector.broadcast %mul3A_333 : f32 to vector<256x1xf32>
      %mul3A_335 = arith.mulf %mul3A_334, %abs3A : vector<256x1xf32>
      %add3A_336 = arith.constant 6.670090e-03 : f32
      %add3A_337 = vector.broadcast %add3A_336 : f32 to vector<256x1xf32>
      %add3A_338 = arith.addf %mul3A_335, %add3A_337 : vector<256x1xf32>
      %mul3A_339 = arith.mulf %add3A_338, %abs3A : vector<256x1xf32>
      %add3A_340 = arith.constant -0.0170881264 : f32
      %add3A_341 = vector.broadcast %add3A_340 : f32 to vector<256x1xf32>
      %add3A_342 = arith.addf %mul3A_339, %add3A_341 : vector<256x1xf32>
      %mul3A_343 = arith.mulf %add3A_342, %abs3A : vector<256x1xf32>
      %add3A_344 = arith.constant 0.0308918804 : f32
      %add3A_345 = vector.broadcast %add3A_344 : f32 to vector<256x1xf32>
      %add3A_346 = arith.addf %mul3A_343, %add3A_345 : vector<256x1xf32>
      %mul3A_347 = arith.mulf %add3A_346, %abs3A : vector<256x1xf32>
      %add3A_348 = arith.constant -0.0501743034 : f32
      %add3A_349 = vector.broadcast %add3A_348 : f32 to vector<256x1xf32>
      %add3A_350 = arith.addf %mul3A_347, %add3A_349 : vector<256x1xf32>
      %mul3A_351 = arith.mulf %add3A_350, %abs3A : vector<256x1xf32>
      %add3A_352 = arith.constant 0.0889789909 : f32
      %add3A_353 = vector.broadcast %add3A_352 : f32 to vector<256x1xf32>
      %add3A_354 = arith.addf %mul3A_351, %add3A_353 : vector<256x1xf32>
      %mul3A_355 = arith.mulf %add3A_354, %abs3A : vector<256x1xf32>
      %add3A_356 = arith.constant -0.214598805 : f32
      %add3A_357 = vector.broadcast %add3A_356 : f32 to vector<256x1xf32>
      %add3A_358 = arith.addf %mul3A_355, %add3A_357 : vector<256x1xf32>
      %mul3A_359 = arith.mulf %add3A_358, %abs3A : vector<256x1xf32>
      %add3A_360 = arith.constant 1.57079625 : f32
      %add3A_361 = vector.broadcast %add3A_360 : f32 to vector<256x1xf32>
      %add3A_362 = arith.addf %mul3A_359, %add3A_361 : vector<256x1xf32>
      %sub3A_363 = arith.constant 1.000000e+00 : f32
      %sub3A_364 = vector.broadcast %sub3A_363 : f32 to vector<256x1xf32>
      %sub3A_365 = arith.subf %sub3A_364, %abs3A : vector<256x1xf32>
      %max3A_366 = arith.constant 0.000000e+00 : f32
      %max3A_367 = vector.broadcast %max3A_366 : f32 to vector<256x1xf32>
      %max3A_368 = arith.maximumf %sub3A_365, %max3A_367 : vector<256x1xf32>
      %sqrt3A_369 = math.sqrt %max3A_368 : vector<256x1xf32>
      %mul3A_370 = arith.mulf %sqrt3A_369, %add3A_362 : vector<256x1xf32>
      %ge3A_371 = arith.constant 0.000000e+00 : f32
      %ge3A_372 = vector.broadcast %ge3A_371 : f32 to vector<256x1xf32>
      %ge3A_373 = arith.cmpf oge, %min3A_332, %ge3A_372 : vector<256x1xf32>
      %sub3A_374 = arith.constant 3.14159274 : f32
      %sub3A_375 = vector.broadcast %sub3A_374 : f32 to vector<256x1xf32>
      %sub3A_376 = arith.subf %sub3A_375, %mul3A_370 : vector<256x1xf32>
      %select_n3A_377 = arith.select %ge3A_373, %mul3A_370, %sub3A_376 : vector<256x1xi1>, vector<256x1xf32>
      %mul3A_378 = arith.constant 0.333333343 : f32
      %mul3A_379 = vector.broadcast %mul3A_378 : f32 to vector<256x1xf32>
      %mul3A_380 = arith.mulf %select_n3A_377, %mul3A_379 : vector<256x1xf32>
      %mul3A_381 = arith.constant 2.000000e+00 : f32
      %mul3A_382 = vector.broadcast %mul3A_381 : f32 to vector<256x1xf32>
      %mul3A_383 = arith.mulf %mul3A_382, %sqrt3A : vector<256x1xf32>
      %cos3A = math.cos %mul3A_380 : vector<256x1xf32>
      %mul3A_384 = arith.mulf %mul3A_383, %cos3A : vector<256x1xf32>
      %add3A_385 = arith.addf %mul3A_277, %mul3A_384 : vector<256x1xf32>
      %mul3A_386 = arith.constant 2.000000e+00 : f32
      %mul3A_387 = vector.broadcast %mul3A_386 : f32 to vector<256x1xf32>
      %mul3A_388 = arith.mulf %mul3A_387, %sqrt3A : vector<256x1xf32>
      %add3A_389 = arith.constant 2.09439516 : f32
      %add3A_390 = vector.broadcast %add3A_389 : f32 to vector<256x1xf32>
      %add3A_391 = arith.addf %mul3A_380, %add3A_390 : vector<256x1xf32>
      %cos3A_392 = math.cos %add3A_391 : vector<256x1xf32>
      %mul3A_393 = arith.mulf %mul3A_388, %cos3A_392 : vector<256x1xf32>
      %add3A_394 = arith.addf %mul3A_277, %mul3A_393 : vector<256x1xf32>
      %mul3A_395 = arith.constant 3.000000e+00 : f32
      %mul3A_396 = vector.broadcast %mul3A_395 : f32 to vector<256x1xf32>
      %mul3A_397 = arith.mulf %mul3A_396, %mul3A_277 : vector<256x1xf32>
      %sub3A_398 = arith.subf %mul3A_397, %add3A_385 : vector<256x1xf32>
      %sub3A_399 = arith.subf %sub3A_398, %add3A_394 : vector<256x1xf32>
      %div3A_400 = arith.divf %add3A_385, %sub3A_399 : vector<256x1xf32>
      %jit3A_401 = arith.constant 1.000000e+00 : f32
      %broadcast_in_dim3A_402 = vector.broadcast %jit3A_401 : f32 to vector<256x1xf32>
      %select_n3A_403 = arith.select %gt3A_296, %div3A_400, %broadcast_in_dim3A_402 : vector<256x1xi1>, vector<256x1xf32>
      %swap3A = arith.constant 0 : index
      %swap3A_404 = arith.index_cast %mul3A_79 : i32 to index
      %swap3A_405 = arith.constant 0 : index
      %swap3A_406 = vector.load %arg5[%swap3A, %swap3A_404, %swap3A_405] : memref<1x4096x1xf32, #tpu.memory_space<vmem>>, vector<1x256x1xf32>
      %swap3A_407 = vector.shape_cast %swap3A_406 : vector<1x256x1xf32> to vector<256x1xf32>
      %swap3A_408 = vector.shape_cast %select_n3A_403 : vector<256x1xf32> to vector<1x256x1xf32>
      tpu.vector_store %arg5[%swap3A, %swap3A_404, %swap3A_405], %swap3A_408 {strides = array<i32>} : memref<1x4096x1xf32, #tpu.memory_space<vmem>>, vector<1x256x1xf32>,
    }
    %scan3A_19 = arith.constant 16 : i32
    %get3A_20 = arith.constant 0 : index
    %get3A_21 = arith.constant 0 : index
    %get3A_22 = arith.constant 0 : index
    %get3A_23 = vector.load %arg4[%get3A_20, %get3A_21, %get3A_22] : memref<1x3x4096xf32, #tpu.memory_space<vmem>>, vector<1x3x4096xf32>
    %get3A_24 = vector.shape_cast %get3A_23 : vector<1x3x4096xf32> to vector<3x4096xf32>
    %mul3A_25 = arith.mulf %get3A_24, %get3A_24 : vector<3x4096xf32>
    %reduce_sum3A_26 = arith.constant dense<0.000000e+00> : vector<4096xf32>
    %reduce_sum3A_27 = vector.multi_reduction <add>, %mul3A_25, %reduce_sum3A_26 [0] : vector<3x4096xf32> to vector<4096xf32>
    %broadcast_in_dim3A_28 = vector.shape_cast %reduce_sum3A_27 : vector<4096xf32> to vector<1x4096xf32>
    %convert_element_type3A_29 = arith.truncf %get3A_24 : vector<3x4096xf32> to vector<3x4096xbf16>
    %get3A_30 = arith.constant 0 : index
    %get3A_31 = arith.constant 0 : index
    %get3A_32 = arith.constant 0 : index
    %get3A_33 = vector.load %arg3[%get3A_30, %get3A_31, %get3A_32] : memref<1x4096x16xf32, #tpu.memory_space<vmem>>, vector<1x4096x16xf32>
    %get3A_34 = vector.shape_cast %get3A_33 : vector<1x4096x16xf32> to vector<4096x16xf32>
    %convert_element_type3A_35 = arith.truncf %get3A_34 : vector<4096x16xf32> to vector<4096x16xbf16>
    %convert_element_type3A_36 = arith.extf %convert_element_type3A_35 : vector<4096x16xbf16> to vector<4096x16xf32>
    %sub3A_37 = arith.subf %get3A_34, %convert_element_type3A_36 : vector<4096x16xf32>
    %convert_element_type3A_38 = arith.truncf %sub3A_37 : vector<4096x16xf32> to vector<4096x16xbf16>
    %convert_element_type3A_39 = arith.extf %convert_element_type3A_38 : vector<4096x16xbf16> to vector<4096x16xf32>
    %sub3A_40 = arith.subf %sub3A_37, %convert_element_type3A_39 : vector<4096x16xf32>
    %convert_element_type3A_41 = arith.truncf %sub3A_40 : vector<4096x16xf32> to vector<4096x16xbf16>
    %scan3A_42 = arith.constant 0 : i32
    %scan3A_43 = arith.constant 16 : i32
    %scan3A_44 = arith.addi %scan3A_42, %scan3A_43 : i32
    %scan3A_45 = arith.constant 1 : i32
    scf.for %scan3A_77 = %scan3A_42 to %scan3A_44 step %scan3A_45  : i32 {
      %mul3A_78 = arith.constant 256 : i32
      %mul3A_79 = arith.muli %scan3A_77, %mul3A_78 : i32
      %get3A_80 = arith.constant 0 : index
      %get3A_81 = arith.index_cast %mul3A_79 : i32 to index
      %get3A_82 = arith.constant 0 : index
      %get3A_83 = vector.load %arg3[%get3A_80, %get3A_81, %get3A_82] : memref<1x4096x16xf32, #tpu.memory_space<vmem>>, vector<1x256x3xf32>
      %get3A_84 = vector.shape_cast %get3A_83 : vector<1x256x3xf32> to vector<256x3xf32>
      %mul3A_85 = arith.constant -2.000000e+00 : f32
      %mul3A_86 = vector.broadcast %mul3A_85 : f32 to vector<256x3xf32>
      %mul3A_87 = arith.mulf %mul3A_86, %get3A_84 : vector<256x3xf32>
      %convert_element_type3A_88 = arith.truncf %mul3A_87 : vector<256x3xf32> to vector<256x3xbf16>
      %dot_general3A = arith.constant dense<0.000000e+00> : vector<256x4096xf32>
      %dot_general3A_89 = tpu.matmul %convert_element_type3A_88, %convert_element_type3A_29, %dot_general3A {dimension_numbers = #tpu.dot_dimension_numbers<[1], [0], [0], [1], [0, 0, 1, 1], [], []>, transpose_lhs_hint = false} : vector<256x3xbf16>, vector<3x4096xbf16>, vector<256x4096xf32> -> vector<256x4096xf32>
      %add3A = vector.broadcast %broadcast_in_dim3A_28 : vector<1x4096xf32> to vector<256x4096xf32>
      %add3A_90 = arith.addf %add3A, %dot_general3A_89 : vector<256x4096xf32>
      %iota3A_91 = tpu.iota {dimensions = array<i32: 0>} : vector<256x4096xi32>
      %add3A_92 = vector.broadcast %mul3A_79 : i32 to vector<256x4096xi32>
      %add3A_93 = arith.addi %iota3A_91, %add3A_92 : vector<256x4096xi32>
      %eq3A = arith.cmpi eq, %iota3A, %add3A_93 : vector<256x4096xi32>
      %jit3A = arith.constant 1.000000e+30 : f32
      %broadcast_in_dim3A_94 = vector.broadcast %jit3A : f32 to vector<256x4096xf32>
      %select_n3A = arith.select %eq3A, %broadcast_in_dim3A_94, %add3A_90 : vector<256x4096xi1>, vector<256x4096xf32>
      %reduce_min3A = arith.constant dense<0x7F800000> : vector<256xf32>
      %reduce_min3A_95 = vector.multi_reduction <minimumf>, %select_n3A, %reduce_min3A [1] : vector<256x4096xf32> to vector<256xf32>
      %broadcast_in_dim3A_96 = vector.shape_cast %reduce_min3A_95 : vector<256xf32> to vector<256x1xf32>
      %eq3A_97 = vector.broadcast %broadcast_in_dim3A_96 : vector<256x1xf32> to vector<256x4096xf32>
      %eq3A_98 = arith.cmpf oeq, %select_n3A, %eq3A_97 : vector<256x4096xf32>
      %jit3A_99 = arith.constant 1.000000e+30 : f32
      %broadcast_in_dim3A_100 = vector.broadcast %jit3A_99 : f32 to vector<256x4096xf32>
      %select_n3A_101 = arith.select %eq3A_98, %broadcast_in_dim3A_100, %select_n3A : vector<256x4096xi1>, vector<256x4096xf32>
      %reduce_min3A_102 = arith.constant dense<0x7F800000> : vector<256xf32>
      %reduce_min3A_103 = vector.multi_reduction <minimumf>, %select_n3A_101, %reduce_min3A_102 [1] : vector<256x4096xf32> to vector<256xf32>
      %broadcast_in_dim3A_104 = vector.shape_cast %reduce_min3A_103 : vector<256xf32> to vector<256x1xf32>
      %eq3A_105 = vector.broadcast %broadcast_in_dim3A_104 : vector<256x1xf32> to vector<256x4096xf32>
      %eq3A_106 = arith.cmpf oeq, %select_n3A_101, %eq3A_105 : vector<256x4096xf32>
      %jit3A_107 = arith.constant 1.000000e+30 : f32
      %broadcast_in_dim3A_108 = vector.broadcast %jit3A_107 : f32 to vector<256x4096xf32>
      %select_n3A_109 = arith.select %eq3A_106, %broadcast_in_dim3A_108, %select_n3A_101 : vector<256x4096xi1>, vector<256x4096xf32>
      %reduce_min3A_110 = arith.constant dense<0x7F800000> : vector<256xf32>
      %reduce_min3A_111 = vector.multi_reduction <minimumf>, %select_n3A_109, %reduce_min3A_110 [1] : vector<256x4096xf32> to vector<256xf32>
      %broadcast_in_dim3A_112 = vector.shape_cast %reduce_min3A_111 : vector<256xf32> to vector<256x1xf32>
      %eq3A_113 = vector.broadcast %broadcast_in_dim3A_112 : vector<256x1xf32> to vector<256x4096xf32>
      %eq3A_114 = arith.cmpf oeq, %select_n3A_109, %eq3A_113 : vector<256x4096xf32>
      %jit3A_115 = arith.constant 1.000000e+30 : f32
      %broadcast_in_dim3A_116 = vector.broadcast %jit3A_115 : f32 to vector<256x4096xf32>
      %select_n3A_117 = arith.select %eq3A_114, %broadcast_in_dim3A_116, %select_n3A_109 : vector<256x4096xi1>, vector<256x4096xf32>
      %reduce_min3A_118 = arith.constant dense<0x7F800000> : vector<256xf32>
      %reduce_min3A_119 = vector.multi_reduction <minimumf>, %select_n3A_117, %reduce_min3A_118 [1] : vector<256x4096xf32> to vector<256xf32>
      %broadcast_in_dim3A_120 = vector.shape_cast %reduce_min3A_119 : vector<256xf32> to vector<256x1xf32>
      %eq3A_121 = vector.broadcast %broadcast_in_dim3A_120 : vector<256x1xf32> to vector<256x4096xf32>
      %eq3A_122 = arith.cmpf oeq, %select_n3A_117, %eq3A_121 : vector<256x4096xf32>
      %jit3A_123 = arith.constant 1.000000e+30 : f32
      %broadcast_in_dim3A_124 = vector.broadcast %jit3A_123 : f32 to vector<256x4096xf32>
      %select_n3A_125 = arith.select %eq3A_122, %broadcast_in_dim3A_124, %select_n3A_117 : vector<256x4096xi1>, vector<256x4096xf32>
      %reduce_min3A_126 = arith.constant dense<0x7F800000> : vector<256xf32>
      %reduce_min3A_127 = vector.multi_reduction <minimumf>, %select_n3A_125, %reduce_min3A_126 [1] : vector<256x4096xf32> to vector<256xf32>
      %broadcast_in_dim3A_128 = vector.shape_cast %reduce_min3A_127 : vector<256xf32> to vector<256x1xf32>
      %eq3A_129 = vector.broadcast %broadcast_in_dim3A_128 : vector<256x1xf32> to vector<256x4096xf32>
      %eq3A_130 = arith.cmpf oeq, %select_n3A_125, %eq3A_129 : vector<256x4096xf32>
      %jit3A_131 = arith.constant 1.000000e+30 : f32
      %broadcast_in_dim3A_132 = vector.broadcast %jit3A_131 : f32 to vector<256x4096xf32>
      %select_n3A_133 = arith.select %eq3A_130, %broadcast_in_dim3A_132, %select_n3A_125 : vector<256x4096xi1>, vector<256x4096xf32>
      %reduce_min3A_134 = arith.constant dense<0x7F800000> : vector<256xf32>
      %reduce_min3A_135 = vector.multi_reduction <minimumf>, %select_n3A_133, %reduce_min3A_134 [1] : vector<256x4096xf32> to vector<256xf32>
      %broadcast_in_dim3A_136 = vector.shape_cast %reduce_min3A_135 : vector<256xf32> to vector<256x1xf32>
      %eq3A_137 = vector.broadcast %broadcast_in_dim3A_136 : vector<256x1xf32> to vector<256x4096xf32>
      %eq3A_138 = arith.cmpf oeq, %select_n3A_133, %eq3A_137 : vector<256x4096xf32>
      %jit3A_139 = arith.constant 1.000000e+30 : f32
      %broadcast_in_dim3A_140 = vector.broadcast %jit3A_139 : f32 to vector<256x4096xf32>
      %select_n3A_141 = arith.select %eq3A_138, %broadcast_in_dim3A_140, %select_n3A_133 : vector<256x4096xi1>, vector<256x4096xf32>
      %reduce_min3A_142 = arith.constant dense<0x7F800000> : vector<256xf32>
      %reduce_min3A_143 = vector.multi_reduction <minimumf>, %select_n3A_141, %reduce_min3A_142 [1] : vector<256x4096xf32> to vector<256xf32>
      %broadcast_in_dim3A_144 = vector.shape_cast %reduce_min3A_143 : vector<256xf32> to vector<256x1xf32>
      %eq3A_145 = vector.broadcast %broadcast_in_dim3A_144 : vector<256x1xf32> to vector<256x4096xf32>
      %eq3A_146 = arith.cmpf oeq, %select_n3A_141, %eq3A_145 : vector<256x4096xf32>
      %jit3A_147 = arith.constant 1.000000e+30 : f32
      %broadcast_in_dim3A_148 = vector.broadcast %jit3A_147 : f32 to vector<256x4096xf32>
      %select_n3A_149 = arith.select %eq3A_146, %broadcast_in_dim3A_148, %select_n3A_141 : vector<256x4096xi1>, vector<256x4096xf32>
      %reduce_min3A_150 = arith.constant dense<0x7F800000> : vector<256xf32>
      %reduce_min3A_151 = vector.multi_reduction <minimumf>, %select_n3A_149, %reduce_min3A_150 [1] : vector<256x4096xf32> to vector<256xf32>
      %broadcast_in_dim3A_152 = vector.shape_cast %reduce_min3A_151 : vector<256xf32> to vector<256x1xf32>
      %eq3A_153 = vector.broadcast %broadcast_in_dim3A_152 : vector<256x1xf32> to vector<256x4096xf32>
      %eq3A_154 = arith.cmpf oeq, %select_n3A_149, %eq3A_153 : vector<256x4096xf32>
      %jit3A_155 = arith.constant 1.000000e+30 : f32
      %broadcast_in_dim3A_156 = vector.broadcast %jit3A_155 : f32 to vector<256x4096xf32>
      %select_n3A_157 = arith.select %eq3A_154, %broadcast_in_dim3A_156, %select_n3A_149 : vector<256x4096xi1>, vector<256x4096xf32>
      %reduce_min3A_158 = arith.constant dense<0x7F800000> : vector<256xf32>
      %reduce_min3A_159 = vector.multi_reduction <minimumf>, %select_n3A_157, %reduce_min3A_158 [1] : vector<256x4096xf32> to vector<256xf32>
      %broadcast_in_dim3A_160 = vector.shape_cast %reduce_min3A_159 : vector<256xf32> to vector<256x1xf32>
      %eq3A_161 = vector.broadcast %broadcast_in_dim3A_160 : vector<256x1xf32> to vector<256x4096xf32>
      %eq3A_162 = arith.cmpf oeq, %select_n3A_157, %eq3A_161 : vector<256x4096xf32>
      %jit3A_163 = arith.constant 1.000000e+30 : f32
      %broadcast_in_dim3A_164 = vector.broadcast %jit3A_163 : f32 to vector<256x4096xf32>
      %select_n3A_165 = arith.select %eq3A_162, %broadcast_in_dim3A_164, %select_n3A_157 : vector<256x4096xi1>, vector<256x4096xf32>
      %reduce_min3A_166 = arith.constant dense<0x7F800000> : vector<256xf32>
      %reduce_min3A_167 = vector.multi_reduction <minimumf>, %select_n3A_165, %reduce_min3A_166 [1] : vector<256x4096xf32> to vector<256xf32>
      %broadcast_in_dim3A_168 = vector.shape_cast %reduce_min3A_167 : vector<256xf32> to vector<256x1xf32>
      %eq3A_169 = vector.broadcast %broadcast_in_dim3A_168 : vector<256x1xf32> to vector<256x4096xf32>
      %eq3A_170 = arith.cmpf oeq, %select_n3A_165, %eq3A_169 : vector<256x4096xf32>
      %jit3A_171 = arith.constant 1.000000e+30 : f32
      %broadcast_in_dim3A_172 = vector.broadcast %jit3A_171 : f32 to vector<256x4096xf32>
      %select_n3A_173 = arith.select %eq3A_170, %broadcast_in_dim3A_172, %select_n3A_165 : vector<256x4096xi1>, vector<256x4096xf32>
      %reduce_min3A_174 = arith.constant dense<0x7F800000> : vector<256xf32>
      %reduce_min3A_175 = vector.multi_reduction <minimumf>, %select_n3A_173, %reduce_min3A_174 [1] : vector<256x4096xf32> to vector<256xf32>
      %broadcast_in_dim3A_176 = vector.shape_cast %reduce_min3A_175 : vector<256xf32> to vector<256x1xf32>
      %eq3A_177 = vector.broadcast %broadcast_in_dim3A_176 : vector<256x1xf32> to vector<256x4096xf32>
      %eq3A_178 = arith.cmpf oeq, %select_n3A_173, %eq3A_177 : vector<256x4096xf32>
      %jit3A_179 = arith.constant 1.000000e+30 : f32
      %broadcast_in_dim3A_180 = vector.broadcast %jit3A_179 : f32 to vector<256x4096xf32>
      %select_n3A_181 = arith.select %eq3A_178, %broadcast_in_dim3A_180, %select_n3A_173 : vector<256x4096xi1>, vector<256x4096xf32>
      %reduce_min3A_182 = arith.constant dense<0x7F800000> : vector<256xf32>
      %reduce_min3A_183 = vector.multi_reduction <minimumf>, %select_n3A_181, %reduce_min3A_182 [1] : vector<256x4096xf32> to vector<256xf32>
      %broadcast_in_dim3A_184 = vector.shape_cast %reduce_min3A_183 : vector<256xf32> to vector<256x1xf32>
      %eq3A_185 = vector.broadcast %broadcast_in_dim3A_184 : vector<256x1xf32> to vector<256x4096xf32>
      %eq3A_186 = arith.cmpf oeq, %select_n3A_181, %eq3A_185 : vector<256x4096xf32>
      %jit3A_187 = arith.constant 1.000000e+30 : f32
      %broadcast_in_dim3A_188 = vector.broadcast %jit3A_187 : f32 to vector<256x4096xf32>
      %select_n3A_189 = arith.select %eq3A_186, %broadcast_in_dim3A_188, %select_n3A_181 : vector<256x4096xi1>, vector<256x4096xf32>
      %reduce_min3A_190 = arith.constant dense<0x7F800000> : vector<256xf32>
      %reduce_min3A_191 = vector.multi_reduction <minimumf>, %select_n3A_189, %reduce_min3A_190 [1] : vector<256x4096xf32> to vector<256xf32>
      %broadcast_in_dim3A_192 = vector.shape_cast %reduce_min3A_191 : vector<256xf32> to vector<256x1xf32>
      %eq3A_193 = vector.broadcast %broadcast_in_dim3A_192 : vector<256x1xf32> to vector<256x4096xf32>
      %eq3A_194 = arith.cmpf oeq, %select_n3A_189, %eq3A_193 : vector<256x4096xf32>
      %jit3A_195 = arith.constant 1.000000e+30 : f32
      %broadcast_in_dim3A_196 = vector.broadcast %jit3A_195 : f32 to vector<256x4096xf32>
      %select_n3A_197 = arith.select %eq3A_194, %broadcast_in_dim3A_196, %select_n3A_189 : vector<256x4096xi1>, vector<256x4096xf32>
      %reduce_min3A_198 = arith.constant dense<0x7F800000> : vector<256xf32>
      %reduce_min3A_199 = vector.multi_reduction <minimumf>, %select_n3A_197, %reduce_min3A_198 [1] : vector<256x4096xf32> to vector<256xf32>
      %broadcast_in_dim3A_200 = vector.shape_cast %reduce_min3A_199 : vector<256xf32> to vector<256x1xf32>
      %eq3A_201 = vector.broadcast %broadcast_in_dim3A_200 : vector<256x1xf32> to vector<256x4096xf32>
      %eq3A_202 = arith.cmpf oeq, %select_n3A_197, %eq3A_201 : vector<256x4096xf32>
      %jit3A_203 = arith.constant 1.000000e+30 : f32
      %broadcast_in_dim3A_204 = vector.broadcast %jit3A_203 : f32 to vector<256x4096xf32>
      %select_n3A_205 = arith.select %eq3A_202, %broadcast_in_dim3A_204, %select_n3A_197 : vector<256x4096xi1>, vector<256x4096xf32>
      %reduce_min3A_206 = arith.constant dense<0x7F800000> : vector<256xf32>
      %reduce_min3A_207 = vector.multi_reduction <minimumf>, %select_n3A_205, %reduce_min3A_206 [1] : vector<256x4096xf32> to vector<256xf32>
      %broadcast_in_dim3A_208 = vector.shape_cast %reduce_min3A_207 : vector<256xf32> to vector<256x1xf32>
      %eq3A_209 = vector.broadcast %broadcast_in_dim3A_208 : vector<256x1xf32> to vector<256x4096xf32>
      %eq3A_210 = arith.cmpf oeq, %select_n3A_205, %eq3A_209 : vector<256x4096xf32>
      %jit3A_211 = arith.constant 1.000000e+30 : f32
      %broadcast_in_dim3A_212 = vector.broadcast %jit3A_211 : f32 to vector<256x4096xf32>
      %select_n3A_213 = arith.select %eq3A_210, %broadcast_in_dim3A_212, %select_n3A_205 : vector<256x4096xi1>, vector<256x4096xf32>
      %ge3A = arith.constant 1.000000e+29 : f32
      %ge3A_214 = vector.broadcast %ge3A : f32 to vector<256x4096xf32>
      %ge3A_215 = arith.cmpf oge, %select_n3A_213, %ge3A_214 : vector<256x4096xf32>
      %convert_element_type3A_216 = arith.extui %ge3A_215 : vector<256x4096xi1> to vector<256x4096xi32>
      %convert_element_type3A_217 = arith.sitofp %convert_element_type3A_216 : vector<256x4096xi32> to vector<256x4096xf32>
      %convert_element_type3A_218 = arith.truncf %convert_element_type3A_217 : vector<256x4096xf32> to vector<256x4096xbf16>
      %dot_general3A_219 = arith.constant dense<0.000000e+00> : vector<256x16xf32>
      %dot_general3A_220 = tpu.matmul %convert_element_type3A_218, %convert_element_type3A_35, %dot_general3A_219 {dimension_numbers = #tpu.dot_dimension_numbers<[1], [0], [0], [1], [0, 0, 1, 1], [], []>, transpose_lhs_hint = false} : vector<256x4096xbf16>, vector<4096x16xbf16>, vector<256x16xf32> -> vector<256x16xf32>
      %dot_general3A_221 = arith.constant dense<0.000000e+00> : vector<256x16xf32>
      %dot_general3A_222 = tpu.matmul %convert_element_type3A_218, %convert_element_type3A_38, %dot_general3A_221 {dimension_numbers = #tpu.dot_dimension_numbers<[1], [0], [0], [1], [0, 0, 1, 1], [], []>, transpose_lhs_hint = false} : vector<256x4096xbf16>, vector<4096x16xbf16>, vector<256x16xf32> -> vector<256x16xf32>
      %add3A_223 = arith.addf %dot_general3A_220, %dot_general3A_222 : vector<256x16xf32>
      %dot_general3A_224 = arith.constant dense<0.000000e+00> : vector<256x16xf32>
      %dot_general3A_225 = tpu.matmul %convert_element_type3A_218, %convert_element_type3A_41, %dot_general3A_224 {dimension_numbers = #tpu.dot_dimension_numbers<[1], [0], [0], [1], [0, 0, 1, 1], [], []>, transpose_lhs_hint = false} : vector<256x4096xbf16>, vector<4096x16xbf16>, vector<256x16xf32> -> vector<256x16xf32>
      %add3A_226 = arith.addf %add3A_223, %dot_general3A_225 : vector<256x16xf32>
      %slice3A = vector.extract_strided_slice %add3A_226 {offsets = [0, 0], sizes = [256, 1], strides = [1, 1]} : vector<256x16xf32> to vector<256x1xf32>
      %div3A = arith.constant 1.600000e+01 : f32
      %div3A_227 = vector.broadcast %div3A : f32 to vector<256x1xf32>
      %div3A_228 = arith.divf %slice3A, %div3A_227 : vector<256x1xf32>
      %slice3A_229 = vector.extract_strided_slice %add3A_226 {offsets = [0, 1], sizes = [256, 1], strides = [1, 1]} : vector<256x16xf32> to vector<256x1xf32>
      %div3A_230 = arith.constant 1.600000e+01 : f32
      %div3A_231 = vector.broadcast %div3A_230 : f32 to vector<256x1xf32>
      %div3A_232 = arith.divf %slice3A_229, %div3A_231 : vector<256x1xf32>
      %slice3A_233 = vector.extract_strided_slice %add3A_226 {offsets = [0, 2], sizes = [256, 1], strides = [1, 1]} : vector<256x16xf32> to vector<256x1xf32>
      %div3A_234 = arith.constant 1.600000e+01 : f32
      %div3A_235 = vector.broadcast %div3A_234 : f32 to vector<256x1xf32>
      %div3A_236 = arith.divf %slice3A_233, %div3A_235 : vector<256x1xf32>
      %slice3A_237 = vector.extract_strided_slice %add3A_226 {offsets = [0, 3], sizes = [256, 1], strides = [1, 1]} : vector<256x16xf32> to vector<256x1xf32>
      %div3A_238 = arith.constant 1.600000e+01 : f32
      %div3A_239 = vector.broadcast %div3A_238 : f32 to vector<256x1xf32>
      %div3A_240 = arith.divf %slice3A_237, %div3A_239 : vector<256x1xf32>
      %mul3A_241 = arith.mulf %div3A_228, %div3A_228 : vector<256x1xf32>
      %sub3A_242 = arith.subf %div3A_240, %mul3A_241 : vector<256x1xf32>
      %slice3A_243 = vector.extract_strided_slice %add3A_226 {offsets = [0, 4], sizes = [256, 1], strides = [1, 1]} : vector<256x16xf32> to vector<256x1xf32>
      %div3A_244 = arith.constant 1.600000e+01 : f32
      %div3A_245 = vector.broadcast %div3A_244 : f32 to vector<256x1xf32>
      %div3A_246 = arith.divf %slice3A_243, %div3A_245 : vector<256x1xf32>
      %mul3A_247 = arith.mulf %div3A_232, %div3A_232 : vector<256x1xf32>
      %sub3A_248 = arith.subf %div3A_246, %mul3A_247 : vector<256x1xf32>
      %slice3A_249 = vector.extract_strided_slice %add3A_226 {offsets = [0, 5], sizes = [256, 1], strides = [1, 1]} : vector<256x16xf32> to vector<256x1xf32>
      %div3A_250 = arith.constant 1.600000e+01 : f32
      %div3A_251 = vector.broadcast %div3A_250 : f32 to vector<256x1xf32>
      %div3A_252 = arith.divf %slice3A_249, %div3A_251 : vector<256x1xf32>
      %mul3A_253 = arith.mulf %div3A_236, %div3A_236 : vector<256x1xf32>
      %sub3A_254 = arith.subf %div3A_252, %mul3A_253 : vector<256x1xf32>
      %slice3A_255 = vector.extract_strided_slice %add3A_226 {offsets = [0, 6], sizes = [256, 1], strides = [1, 1]} : vector<256x16xf32> to vector<256x1xf32>
      %div3A_256 = arith.constant 1.600000e+01 : f32
      %div3A_257 = vector.broadcast %div3A_256 : f32 to vector<256x1xf32>
      %div3A_258 = arith.divf %slice3A_255, %div3A_257 : vector<256x1xf32>
      %mul3A_259 = arith.mulf %div3A_228, %div3A_232 : vector<256x1xf32>
      %sub3A_260 = arith.subf %div3A_258, %mul3A_259 : vector<256x1xf32>
      %slice3A_261 = vector.extract_strided_slice %add3A_226 {offsets = [0, 7], sizes = [256, 1], strides = [1, 1]} : vector<256x16xf32> to vector<256x1xf32>
      %div3A_262 = arith.constant 1.600000e+01 : f32
      %div3A_263 = vector.broadcast %div3A_262 : f32 to vector<256x1xf32>
      %div3A_264 = arith.divf %slice3A_261, %div3A_263 : vector<256x1xf32>
      %mul3A_265 = arith.mulf %div3A_228, %div3A_236 : vector<256x1xf32>
      %sub3A_266 = arith.subf %div3A_264, %mul3A_265 : vector<256x1xf32>
      %slice3A_267 = vector.extract_strided_slice %add3A_226 {offsets = [0, 8], sizes = [256, 1], strides = [1, 1]} : vector<256x16xf32> to vector<256x1xf32>
      %div3A_268 = arith.constant 1.600000e+01 : f32
      %div3A_269 = vector.broadcast %div3A_268 : f32 to vector<256x1xf32>
      %div3A_270 = arith.divf %slice3A_267, %div3A_269 : vector<256x1xf32>
      %mul3A_271 = arith.mulf %div3A_232, %div3A_236 : vector<256x1xf32>
      %sub3A_272 = arith.subf %div3A_270, %mul3A_271 : vector<256x1xf32>
      %add3A_273 = arith.addf %sub3A_242, %sub3A_248 : vector<256x1xf32>
      %add3A_274 = arith.addf %add3A_273, %sub3A_254 : vector<256x1xf32>
      %mul3A_275 = arith.constant 0.333333343 : f32
      %mul3A_276 = vector.broadcast %mul3A_275 : f32 to vector<256x1xf32>
      %mul3A_277 = arith.mulf %add3A_274, %mul3A_276 : vector<256x1xf32>
      %mul3A_278 = arith.mulf %sub3A_260, %sub3A_260 : vector<256x1xf32>
      %mul3A_279 = arith.mulf %sub3A_266, %sub3A_266 : vector<256x1xf32>
      %add3A_280 = arith.addf %mul3A_278, %mul3A_279 : vector<256x1xf32>
      %mul3A_281 = arith.mulf %sub3A_272, %sub3A_272 : vector<256x1xf32>
      %add3A_282 = arith.addf %add3A_280, %mul3A_281 : vector<256x1xf32>
      %sub3A_283 = arith.subf %sub3A_242, %mul3A_277 : vector<256x1xf32>
      %sub3A_284 = arith.subf %sub3A_248, %mul3A_277 : vector<256x1xf32>
      %sub3A_285 = arith.subf %sub3A_254, %mul3A_277 : vector<256x1xf32>
      %mul3A_286 = arith.mulf %sub3A_283, %sub3A_283 : vector<256x1xf32>
      %mul3A_287 = arith.mulf %sub3A_284, %sub3A_284 : vector<256x1xf32>
      %add3A_288 = arith.addf %mul3A_286, %mul3A_287 : vector<256x1xf32>
      %mul3A_289 = arith.mulf %sub3A_285, %sub3A_285 : vector<256x1xf32>
      %add3A_290 = arith.addf %add3A_288, %mul3A_289 : vector<256x1xf32>
      %mul3A_291 = arith.constant 2.000000e+00 : f32
      %mul3A_292 = vector.broadcast %mul3A_291 : f32 to vector<256x1xf32>
      %mul3A_293 = arith.mulf %mul3A_292, %add3A_282 : vector<256x1xf32>
      %add3A_294 = arith.addf %add3A_290, %mul3A_293 : vector<256x1xf32>
      %gt3A = arith.constant 1.000000e-30 : f32
      %gt3A_295 = vector.broadcast %gt3A : f32 to vector<256x1xf32>
      %gt3A_296 = arith.cmpf ogt, %add3A_294, %gt3A_295 : vector<256x1xf32>
      %max3A = arith.constant 1.000000e-30 : f32
      %max3A_297 = vector.broadcast %max3A : f32 to vector<256x1xf32>
      %max3A_298 = arith.maximumf %add3A_294, %max3A_297 : vector<256x1xf32>
      %mul3A_299 = arith.constant 0.166666672 : f32
      %mul3A_300 = vector.broadcast %mul3A_299 : f32 to vector<256x1xf32>
      %mul3A_301 = arith.mulf %max3A_298, %mul3A_300 : vector<256x1xf32>
      %sqrt3A = math.sqrt %mul3A_301 : vector<256x1xf32>
      %div3A_302 = arith.constant 1.000000e+00 : f32
      %div3A_303 = vector.broadcast %div3A_302 : f32 to vector<256x1xf32>
      %div3A_304 = arith.divf %div3A_303, %sqrt3A : vector<256x1xf32>
      %mul3A_305 = arith.mulf %sub3A_283, %div3A_304 : vector<256x1xf32>
      %mul3A_306 = arith.mulf %sub3A_284, %div3A_304 : vector<256x1xf32>
      %mul3A_307 = arith.mulf %sub3A_285, %div3A_304 : vector<256x1xf32>
      %mul3A_308 = arith.mulf %sub3A_260, %div3A_304 : vector<256x1xf32>
      %mul3A_309 = arith.mulf %sub3A_266, %div3A_304 : vector<256x1xf32>
      %mul3A_310 = arith.mulf %sub3A_272, %div3A_304 : vector<256x1xf32>
      %mul3A_311 = arith.mulf %mul3A_306, %mul3A_307 : vector<256x1xf32>
      %mul3A_312 = arith.mulf %mul3A_310, %mul3A_310 : vector<256x1xf32>
      %sub3A_313 = arith.subf %mul3A_311, %mul3A_312 : vector<256x1xf32>
      %mul3A_314 = arith.mulf %mul3A_305, %sub3A_313 : vector<256x1xf32>
      %mul3A_315 = arith.mulf %mul3A_308, %mul3A_307 : vector<256x1xf32>
      %mul3A_316 = arith.mulf %mul3A_310, %mul3A_309 : vector<256x1xf32>
      %sub3A_317 = arith.subf %mul3A_315, %mul3A_316 : vector<256x1xf32>
      %mul3A_318 = arith.mulf %mul3A_308, %sub3A_317 : vector<256x1xf32>
      %sub3A_319 = arith.subf %mul3A_314, %mul3A_318 : vector<256x1xf32>
      %mul3A_320 = arith.mulf %mul3A_308, %mul3A_310 : vector<256x1xf32>
      %mul3A_321 = arith.mulf %mul3A_306, %mul3A_309 : vector<256x1xf32>
      %sub3A_322 = arith.subf %mul3A_320, %mul3A_321 : vector<256x1xf32>
      %mul3A_323 = arith.mulf %mul3A_309, %sub3A_322 : vector<256x1xf32>
      %add3A_324 = arith.addf %sub3A_319, %mul3A_323 : vector<256x1xf32>
      %mul3A_325 = arith.constant 5.000000e-01 : f32
      %mul3A_326 = vector.broadcast %mul3A_325 : f32 to vector<256x1xf32>
      %mul3A_327 = arith.mulf %add3A_324, %mul3A_326 : vector<256x1xf32>
      %jit3A_328 = arith.constant -1.000000e+00 : f32
      %jit3A_329 = arith.constant 1.000000e+00 : f32
      %max3A_330 = vector.broadcast %jit3A_328 : f32 to vector<256x1xf32>
      %max3A_331 = arith.maximumf %max3A_330, %mul3A_327 : vector<256x1xf32>
      %min3A = vector.broadcast %jit3A_329 : f32 to vector<256x1xf32>
      %min3A_332 = arith.minimumf %min3A, %max3A_331 : vector<256x1xf32>
      %abs3A = math.absf %min3A_332 : vector<256x1xf32>
      %mul3A_333 = arith.constant -0.0012624911 : f32
      %mul3A_334 = vector.broadcast %mul3A_333 : f32 to vector<256x1xf32>
      %mul3A_335 = arith.mulf %mul3A_334, %abs3A : vector<256x1xf32>
      %add3A_336 = arith.constant 6.670090e-03 : f32
      %add3A_337 = vector.broadcast %add3A_336 : f32 to vector<256x1xf32>
      %add3A_338 = arith.addf %mul3A_335, %add3A_337 : vector<256x1xf32>
      %mul3A_339 = arith.mulf %add3A_338, %abs3A : vector<256x1xf32>
      %add3A_340 = arith.constant -0.0170881264 : f32
      %add3A_341 = vector.broadcast %add3A_340 : f32 to vector<256x1xf32>
      %add3A_342 = arith.addf %mul3A_339, %add3A_341 : vector<256x1xf32>
      %mul3A_343 = arith.mulf %add3A_342, %abs3A : vector<256x1xf32>
      %add3A_344 = arith.constant 0.0308918804 : f32
      %add3A_345 = vector.broadcast %add3A_344 : f32 to vector<256x1xf32>
      %add3A_346 = arith.addf %mul3A_343, %add3A_345 : vector<256x1xf32>
      %mul3A_347 = arith.mulf %add3A_346, %abs3A : vector<256x1xf32>
      %add3A_348 = arith.constant -0.0501743034 : f32
      %add3A_349 = vector.broadcast %add3A_348 : f32 to vector<256x1xf32>
      %add3A_350 = arith.addf %mul3A_347, %add3A_349 : vector<256x1xf32>
      %mul3A_351 = arith.mulf %add3A_350, %abs3A : vector<256x1xf32>
      %add3A_352 = arith.constant 0.0889789909 : f32
      %add3A_353 = vector.broadcast %add3A_352 : f32 to vector<256x1xf32>
      %add3A_354 = arith.addf %mul3A_351, %add3A_353 : vector<256x1xf32>
      %mul3A_355 = arith.mulf %add3A_354, %abs3A : vector<256x1xf32>
      %add3A_356 = arith.constant -0.214598805 : f32
      %add3A_357 = vector.broadcast %add3A_356 : f32 to vector<256x1xf32>
      %add3A_358 = arith.addf %mul3A_355, %add3A_357 : vector<256x1xf32>
      %mul3A_359 = arith.mulf %add3A_358, %abs3A : vector<256x1xf32>
      %add3A_360 = arith.constant 1.57079625 : f32
      %add3A_361 = vector.broadcast %add3A_360 : f32 to vector<256x1xf32>
      %add3A_362 = arith.addf %mul3A_359, %add3A_361 : vector<256x1xf32>
      %sub3A_363 = arith.constant 1.000000e+00 : f32
      %sub3A_364 = vector.broadcast %sub3A_363 : f32 to vector<256x1xf32>
      %sub3A_365 = arith.subf %sub3A_364, %abs3A : vector<256x1xf32>
      %max3A_366 = arith.constant 0.000000e+00 : f32
      %max3A_367 = vector.broadcast %max3A_366 : f32 to vector<256x1xf32>
      %max3A_368 = arith.maximumf %sub3A_365, %max3A_367 : vector<256x1xf32>
      %sqrt3A_369 = math.sqrt %max3A_368 : vector<256x1xf32>
      %mul3A_370 = arith.mulf %sqrt3A_369, %add3A_362 : vector<256x1xf32>
      %ge3A_371 = arith.constant 0.000000e+00 : f32
      %ge3A_372 = vector.broadcast %ge3A_371 : f32 to vector<256x1xf32>
      %ge3A_373 = arith.cmpf oge, %min3A_332, %ge3A_372 : vector<256x1xf32>
      %sub3A_374 = arith.constant 3.14159274 : f32
      %sub3A_375 = vector.broadcast %sub3A_374 : f32 to vector<256x1xf32>
      %sub3A_376 = arith.subf %sub3A_375, %mul3A_370 : vector<256x1xf32>
      %select_n3A_377 = arith.select %ge3A_373, %mul3A_370, %sub3A_376 : vector<256x1xi1>, vector<256x1xf32>
      %mul3A_378 = arith.constant 0.333333343 : f32
      %mul3A_379 = vector.broadcast %mul3A_378 : f32 to vector<256x1xf32>
      %mul3A_380 = arith.mulf %select_n3A_377, %mul3A_379 : vector<256x1xf32>
      %mul3A_381 = arith.constant 2.000000e+00 : f32
      %mul3A_382 = vector.broadcast %mul3A_381 : f32 to vector<256x1xf32>
      %mul3A_383 = arith.mulf %mul3A_382, %sqrt3A : vector<256x1xf32>
      %cos3A = math.cos %mul3A_380 : vector<256x1xf32>
      %mul3A_384 = arith.mulf %mul3A_383, %cos3A : vector<256x1xf32>
      %add3A_385 = arith.addf %mul3A_277, %mul3A_384 : vector<256x1xf32>
      %mul3A_386 = arith.constant 2.000000e+00 : f32
      %mul3A_387 = vector.broadcast %mul3A_386 : f32 to vector<256x1xf32>
      %mul3A_388 = arith.mulf %mul3A_387, %sqrt3A : vector<256x1xf32>
      %add3A_389 = arith.constant 2.09439516 : f32
      %add3A_390 = vector.broadcast %add3A_389 : f32 to vector<256x1xf32>
      %add3A_391 = arith.addf %mul3A_380, %add3A_390 : vector<256x1xf32>
      %cos3A_392 = math.cos %add3A_391 : vector<256x1xf32>
      %mul3A_393 = arith.mulf %mul3A_388, %cos3A_392 : vector<256x1xf32>
      %add3A_394 = arith.addf %mul3A_277, %mul3A_393 : vector<256x1xf32>
      %mul3A_395 = arith.constant 3.000000e+00 : f32
      %mul3A_396 = vector.broadcast %mul3A_395 : f32 to vector<256x1xf32>
      %mul3A_397 = arith.mulf %mul3A_396, %mul3A_277 : vector<256x1xf32>
      %sub3A_398 = arith.subf %mul3A_397, %add3A_385 : vector<256x1xf32>
      %sub3A_399 = arith.subf %sub3A_398, %add3A_394 : vector<256x1xf32>
      %div3A_400 = arith.divf %add3A_385, %sub3A_399 : vector<256x1xf32>
      %jit3A_401 = arith.constant 1.000000e+00 : f32
      %broadcast_in_dim3A_402 = vector.broadcast %jit3A_401 : f32 to vector<256x1xf32>
      %select_n3A_403 = arith.select %gt3A_296, %div3A_400, %broadcast_in_dim3A_402 : vector<256x1xi1>, vector<256x1xf32>
      %swap3A = arith.constant 0 : index
      %swap3A_404 = arith.index_cast %mul3A_79 : i32 to index
      %swap3A_405 = arith.constant 0 : index
      %swap3A_406 = vector.load %arg6[%swap3A, %swap3A_404, %swap3A_405] : memref<1x4096x1xf32, #tpu.memory_space<vmem>>, vector<1x256x1xf32>
      %swap3A_407 = vector.shape_cast %swap3A_406 : vector<1x256x1xf32> to vector<256x1xf32>
      %swap3A_408 = vector.shape_cast %select_n3A_403 : vector<256x1xf32> to vector<1x256x1xf32>
      tpu.vector_store %arg6[%swap3A, %swap3A_404, %swap3A_405], %swap3A_408 {strides = array<i32>} : memref<1x4096x1xf32, #tpu.memory_space<vmem>>, vector<1x256x1xf32>,
    }
    %scan3A_46 = arith.constant 16 : i32
    %get3A_47 = arith.constant 0 : index
    %get3A_48 = arith.constant 0 : index
    %get3A_49 = arith.constant 0 : index
    %get3A_50 = vector.load %arg4[%get3A_47, %get3A_48, %get3A_49] : memref<1x3x4096xf32, #tpu.memory_space<vmem>>, vector<1x3x4096xf32>
    %get3A_51 = vector.shape_cast %get3A_50 : vector<1x3x4096xf32> to vector<3x4096xf32>
    %mul3A_52 = arith.mulf %get3A_51, %get3A_51 : vector<3x4096xf32>
    %reduce_sum3A_53 = arith.constant dense<0.000000e+00> : vector<4096xf32>
    %reduce_sum3A_54 = vector.multi_reduction <add>, %mul3A_52, %reduce_sum3A_53 [0] : vector<3x4096xf32> to vector<4096xf32>
    %broadcast_in_dim3A_55 = vector.shape_cast %reduce_sum3A_54 : vector<4096xf32> to vector<1x4096xf32>
    %convert_element_type3A_56 = arith.truncf %get3A_51 : vector<3x4096xf32> to vector<3x4096xbf16>
    %scan3A_57 = arith.constant 0 : i32
    %scan3A_58 = arith.constant 16 : i32
    %scan3A_59 = arith.addi %scan3A_57, %scan3A_58 : i32
    %scan3A_60 = arith.constant 1 : i32
    scf.for %scan3A_77 = %scan3A_57 to %scan3A_59 step %scan3A_60  : i32 {
      %mul3A_78 = arith.constant 256 : i32
      %mul3A_79 = arith.muli %scan3A_77, %mul3A_78 : i32
      %get3A_80 = arith.constant 0 : index
      %get3A_81 = arith.index_cast %mul3A_79 : i32 to index
      %get3A_82 = arith.constant 0 : index
      %get3A_83 = vector.load %arg1[%get3A_80, %get3A_81, %get3A_82] : memref<1x4096x16xf32, #tpu.memory_space<vmem>>, vector<1x256x3xf32>
      %get3A_84 = vector.shape_cast %get3A_83 : vector<1x256x3xf32> to vector<256x3xf32>
      %mul3A_85 = arith.constant -2.000000e+00 : f32
      %mul3A_86 = vector.broadcast %mul3A_85 : f32 to vector<256x3xf32>
      %mul3A_87 = arith.mulf %mul3A_86, %get3A_84 : vector<256x3xf32>
      %convert_element_type3A_88 = arith.truncf %mul3A_87 : vector<256x3xf32> to vector<256x3xbf16>
      %dot_general3A = arith.constant dense<0.000000e+00> : vector<256x4096xf32>
      %dot_general3A_89 = tpu.matmul %convert_element_type3A_88, %convert_element_type3A_56, %dot_general3A {dimension_numbers = #tpu.dot_dimension_numbers<[1], [0], [0], [1], [0, 0, 1, 1], [], []>, transpose_lhs_hint = false} : vector<256x3xbf16>, vector<3x4096xbf16>, vector<256x4096xf32> -> vector<256x4096xf32>
      %add3A = vector.broadcast %broadcast_in_dim3A_55 : vector<1x4096xf32> to vector<256x4096xf32>
      %add3A_90 = arith.addf %add3A, %dot_general3A_89 : vector<256x4096xf32>
      %reduce_min3A = arith.constant dense<0x7F800000> : vector<256xf32>
      %reduce_min3A_91 = vector.multi_reduction <minimumf>, %add3A_90, %reduce_min3A [1] : vector<256x4096xf32> to vector<256xf32>
      %broadcast_in_dim3A_92 = vector.shape_cast %reduce_min3A_91 : vector<256xf32> to vector<256x1xf32>
      %eq3A = vector.broadcast %broadcast_in_dim3A_92 : vector<256x1xf32> to vector<256x4096xf32>
      %eq3A_93 = arith.cmpf oeq, %add3A_90, %eq3A : vector<256x4096xf32>
      %jit3A = arith.constant 8192 : i32
      %broadcast_in_dim3A_94 = vector.broadcast %jit3A : i32 to vector<256x4096xi32>
      %select_n3A = arith.select %eq3A_93, %iota3A, %broadcast_in_dim3A_94 : vector<256x4096xi1>, vector<256x4096xi32>
      %reduce_min3A_95 = arith.constant dense<2147483647> : vector<256xi32>
      %reduce_min3A_96 = vector.multi_reduction <minsi>, %select_n3A, %reduce_min3A_95 [1] : vector<256x4096xi32> to vector<256xi32>
      %broadcast_in_dim3A_97 = vector.shape_cast %reduce_min3A_96 : vector<256xi32> to vector<256x1xi32>
      %swap3A = arith.constant 0 : index
      %swap3A_98 = arith.index_cast %mul3A_79 : i32 to index
      %swap3A_99 = arith.constant 0 : index
      %swap3A_100 = vector.load %arg7[%swap3A, %swap3A_98, %swap3A_99] : memref<1x4096x1xi32, #tpu.memory_space<vmem>>, vector<1x256x1xi32>
      %swap3A_101 = vector.shape_cast %swap3A_100 : vector<1x256x1xi32> to vector<256x1xi32>
      %swap3A_102 = vector.shape_cast %broadcast_in_dim3A_97 : vector<256x1xi32> to vector<1x256x1xi32>
      tpu.vector_store %arg7[%swap3A, %swap3A_98, %swap3A_99], %swap3A_102 {strides = array<i32>} : memref<1x4096x1xi32, #tpu.memory_space<vmem>>, vector<1x256x1xi32>,
    }
    %scan3A_61 = arith.constant 16 : i32
    %get3A_62 = arith.constant 0 : index
    %get3A_63 = arith.constant 0 : index
    %get3A_64 = arith.constant 0 : index
    %get3A_65 = vector.load %arg2[%get3A_62, %get3A_63, %get3A_64] : memref<1x3x4096xf32, #tpu.memory_space<vmem>>, vector<1x3x4096xf32>
    %get3A_66 = vector.shape_cast %get3A_65 : vector<1x3x4096xf32> to vector<3x4096xf32>
    %mul3A_67 = arith.mulf %get3A_66, %get3A_66 : vector<3x4096xf32>
    %reduce_sum3A_68 = arith.constant dense<0.000000e+00> : vector<4096xf32>
    %reduce_sum3A_69 = vector.multi_reduction <add>, %mul3A_67, %reduce_sum3A_68 [0] : vector<3x4096xf32> to vector<4096xf32>
    %broadcast_in_dim3A_70 = vector.shape_cast %reduce_sum3A_69 : vector<4096xf32> to vector<1x4096xf32>
    %convert_element_type3A_71 = arith.truncf %get3A_66 : vector<3x4096xf32> to vector<3x4096xbf16>
    %scan3A_72 = arith.constant 0 : i32
    %scan3A_73 = arith.constant 16 : i32
    %scan3A_74 = arith.addi %scan3A_72, %scan3A_73 : i32
    %scan3A_75 = arith.constant 1 : i32
    scf.for %scan3A_77 = %scan3A_72 to %scan3A_74 step %scan3A_75  : i32 {
      %mul3A_78 = arith.constant 256 : i32
      %mul3A_79 = arith.muli %scan3A_77, %mul3A_78 : i32
      %get3A_80 = arith.constant 0 : index
      %get3A_81 = arith.index_cast %mul3A_79 : i32 to index
      %get3A_82 = arith.constant 0 : index
      %get3A_83 = vector.load %arg3[%get3A_80, %get3A_81, %get3A_82] : memref<1x4096x16xf32, #tpu.memory_space<vmem>>, vector<1x256x3xf32>
      %get3A_84 = vector.shape_cast %get3A_83 : vector<1x256x3xf32> to vector<256x3xf32>
      %mul3A_85 = arith.constant -2.000000e+00 : f32
      %mul3A_86 = vector.broadcast %mul3A_85 : f32 to vector<256x3xf32>
      %mul3A_87 = arith.mulf %mul3A_86, %get3A_84 : vector<256x3xf32>
      %convert_element_type3A_88 = arith.truncf %mul3A_87 : vector<256x3xf32> to vector<256x3xbf16>
      %dot_general3A = arith.constant dense<0.000000e+00> : vector<256x4096xf32>
      %dot_general3A_89 = tpu.matmul %convert_element_type3A_88, %convert_element_type3A_71, %dot_general3A {dimension_numbers = #tpu.dot_dimension_numbers<[1], [0], [0], [1], [0, 0, 1, 1], [], []>, transpose_lhs_hint = false} : vector<256x3xbf16>, vector<3x4096xbf16>, vector<256x4096xf32> -> vector<256x4096xf32>
      %add3A = vector.broadcast %broadcast_in_dim3A_70 : vector<1x4096xf32> to vector<256x4096xf32>
      %add3A_90 = arith.addf %add3A, %dot_general3A_89 : vector<256x4096xf32>
      %reduce_min3A = arith.constant dense<0x7F800000> : vector<256xf32>
      %reduce_min3A_91 = vector.multi_reduction <minimumf>, %add3A_90, %reduce_min3A [1] : vector<256x4096xf32> to vector<256xf32>
      %broadcast_in_dim3A_92 = vector.shape_cast %reduce_min3A_91 : vector<256xf32> to vector<256x1xf32>
      %eq3A = vector.broadcast %broadcast_in_dim3A_92 : vector<256x1xf32> to vector<256x4096xf32>
      %eq3A_93 = arith.cmpf oeq, %add3A_90, %eq3A : vector<256x4096xf32>
      %jit3A = arith.constant 8192 : i32
      %broadcast_in_dim3A_94 = vector.broadcast %jit3A : i32 to vector<256x4096xi32>
      %select_n3A = arith.select %eq3A_93, %iota3A, %broadcast_in_dim3A_94 : vector<256x4096xi1>, vector<256x4096xi32>
      %reduce_min3A_95 = arith.constant dense<2147483647> : vector<256xi32>
      %reduce_min3A_96 = vector.multi_reduction <minsi>, %select_n3A, %reduce_min3A_95 [1] : vector<256x4096xi32> to vector<256xi32>
      %broadcast_in_dim3A_97 = vector.shape_cast %reduce_min3A_96 : vector<256xi32> to vector<256x1xi32>
      %swap3A = arith.constant 0 : index
      %swap3A_98 = arith.index_cast %mul3A_79 : i32 to index
      %swap3A_99 = arith.constant 0 : index
      %swap3A_100 = vector.load %arg8[%swap3A, %swap3A_98, %swap3A_99] : memref<1x4096x1xi32, #tpu.memory_space<vmem>>, vector<1x256x1xi32>
      %swap3A_101 = vector.shape_cast %swap3A_100 : vector<1x256x1xi32> to vector<256x1xi32>
      %swap3A_102 = vector.shape_cast %broadcast_in_dim3A_97 : vector<256x1xi32> to vector<1x256x1xi32>
      tpu.vector_store %arg8[%swap3A, %swap3A_98, %swap3A_99], %swap3A_102 {strides = array<i32>} : memref<1x4096x1xi32, #tpu.memory_space<vmem>>, vector<1x256x1xi32>,
    }
    %scan3A_76 = arith.constant 16 : i32
    return
  }
  func.func @transform_0(%arg0: i32) -> (i32, i32, i32) {
    %c0_i32 = arith.constant 0 : i32
    %c0_i32_0 = arith.constant 0 : i32
    %c0_i32_1 = arith.constant 0 : i32
    return %arg0, %c0_i32, %c0_i32_0 : i32, i32, i32
  }
  func.func @transform_1(%arg0: i32) -> (i32, i32, i32) {
    %c0_i32 = arith.constant 0 : i32
    %c0_i32_0 = arith.constant 0 : i32
    %c0_i32_1 = arith.constant 0 : i32
    return %arg0, %c0_i32, %c0_i32_0 : i32, i32, i32
  }
  func.func @transform_2(%arg0: i32) -> (i32, i32, i32) {
    %c0_i32 = arith.constant 0 : i32
    %c0_i32_0 = arith.constant 0 : i32
    %c0_i32_1 = arith.constant 0 : i32
    return %arg0, %c0_i32, %c0_i32_0 : i32, i32, i32
  }
  func.func @transform_3(%arg0: i32) -> (i32, i32, i32) {
    %c0_i32 = arith.constant 0 : i32
    %c0_i32_0 = arith.constant 0 : i32
    %c0_i32_1 = arith.constant 0 : i32
    return %arg0, %c0_i32, %c0_i32_0 : i32, i32, i32
  }
  func.func @transform_4(%arg0: i32) -> (i32, i32, i32) {
    %c0_i32 = arith.constant 0 : i32
    %c0_i32_0 = arith.constant 0 : i32
    %c0_i32_1 = arith.constant 0 : i32
    return %arg0, %c0_i32, %c0_i32_0 : i32, i32, i32
  }
  func.func @transform_5(%arg0: i32) -> (i32, i32, i32) {
    %c0_i32 = arith.constant 0 : i32
    %c0_i32_0 = arith.constant 0 : i32
    %c0_i32_1 = arith.constant 0 : i32
    return %arg0, %c0_i32, %c0_i32_0 : i32, i32, i32
  }
  func.func @transform_6(%arg0: i32) -> (i32, i32, i32) {
    %c0_i32 = arith.constant 0 : i32
    %c0_i32_0 = arith.constant 0 : i32
    %c0_i32_1 = arith.constant 0 : i32
    return %arg0, %c0_i32, %c0_i32_0 : i32, i32, i32
  }
  func.func @transform_7(%arg0: i32) -> (i32, i32, i32) {
    %c0_i32 = arith.constant 0 : i32
    %c0_i32_0 = arith.constant 0 : i32
    %c0_i32_1 = arith.constant 0 : i32
    return %arg0, %c0_i32, %c0_i32_0 : i32, i32, i32
  }
}

</mosaic_0001>

<sc_bundles>
// kernel: kernel.4.cloned.1.call-start
scs
__scs_entry_jumppad:
0x0: {  	(pc) =	sbr.rel $0x88, $3  }
0x1: {  	(tag) =	ssettag $0x0;
	lr =	simm.s32 $0x1  }
0x2: {  	[smem:$0x3F9F] =	sst lr;
	_ =	strace $0xD0000000  }
0x3: {  	_ = 	snop  }
0x4: {  	_ = 	snop  }
0x5: {  	_ = 	snop  }
0x6: {  	_ = 	snop  }
0x7: {  	_ = 	snop  }
__scs_overlays_trampoline_lowered:
0x8: {  	[smem:$0x3FAE] =	sst s0  }
0x9: {  	[smem:$0x3FAF] =	sst s1  }
0xa: {  	[smem:$0x3FB0] =	sst s2  }
0xb: {  	[smem:$0x3FB1] =	sst s3  }
0xc: {  	[smem:$0x3FB2] =	sst s4  }
0xd: {  	[smem:$0x3FB3] =	sst s5  }
0xe: {  	[smem:$0x3FB4] =	sst s6  }
0xf: {  	[smem:$0x3FB5] =	sst s7  }
0x10: {  	[smem:$0x3FB6] =	sst s8  }
0x11: {  	[smem:$0x3FB7] =	sst s9;
	s0 =	simm.s32 @!p0 $0x0  }
0x12: {  	s1 =	sld [smem:$0x3F9D];
	s0 =	simm.s32 @p0 $0x1  }
0x13: {  	[smem:$0x3FB8] =	sst s0;
	s0 =	simm.s32 @!p1 $0x0  }
0x14: {  	s2 =	sld [smem:$0x3F9C];
	s0 =	simm.s32 @p1 $0x1  }
0x15: {  	[smem:$0x3FB9] =	sst s0;
	s0 =	simm.s32 @!p2 $0x0  }
0x16: {  	s3 =	sld [smem:$0x3FDB];
	s0 =	simm.s32 @p2 $0x1  }
0x17: {  	s4 =	simm.s32 $0x1BF5;
	[smem:$0x3FBB] =	sst s0  }
0x18: {  	s0 =	sld [smem:$0x3F9E];
	_ =	swait.ge [sflag:s4], $0x0  }
0x19: {  	s7 =	sld [smem:$0x3F9F]  }
0x1a: {  	s8 =	sadd.s32 $0xFFFFE003, lr  }
0x1b: {  	s9 =	sadd.s32 $0xFFFFFEF7, lr;
	s5 =	simm.s32 $0xFFFFFFFF;
	p2 =	slt.u32 s8, $0xFFFFF086  }
0x1c: {  	p1 =	slt.u32 s9, $0xF7A;
	s5 =	simm.s32 @!p2 $0x0  }
0x1d: {  	s5 =	simm.s32 @p1 $0x1;
	p0 =	seq.s32 s7, s2  }
0x1e: {  	s7 =	smul.u32 @!p0 $0xF7A, s2;
	p2 =	seq.s32 @!p0 s5, $0x0  }
0x1f: {  	s9 =	smul.u32 $0xF7A, s1;
	s8 =	simm.s32 @!p0 $0x1BF5;
	p2 =	por !p2, p0  }
0x20: {  	[sflag:s8] =	ssyncset.s32 @!p0 $0xFFFFF086;
	s6 =	sadd.s32 @!p0 s3, s7;
	s7 =	simm.s32 @!p0 $0x108  }
0x21: {  	s3 =	sadd.s32 s3, s9;
	s6 =	sadd.s32 @!p0 $0x88, s6;
	s7 =	simm.s32 @p2 $0x1082  }
0x22: {  	[simem:s7], [sflag:s8] =	dma.local @!p0 [hbm:s6], $0xF7A  }
0x23: {  	s9 =	sor.u32 $0xD0000000, s2;
	s6 =	simm.s32 $0x108;
	_ =	swait.ge @!p0 [sflag:s8], $0x0  }
0x24: {  	s3 =	sadd.s32 $0x88, s3;
	s6 =	simm.s32 @!p1 $0x1082;
	[sflag:s4] =	ssyncset.s32 $0xFFFFF086  }
0x25: {  	[simem:s6], [sflag:s4] =	dma.local [hbm:s3], $0xF7A  }
0x26: {  	[smem:$0x3F9F] =	sst s1;
	(tag) =	ssettag s2;
	_ =	strace s9  }
0x27: {  	s1 =	sld [smem:$0x3FAF]  }
0x28: {  	s2 =	sld [smem:$0x3FB0]  }
0x29: {  	s4 =	sld [smem:$0x3FB2]  }
0x2a: {  	p0 =	seq.s32 s5, $0x0;
	s5 =	sld [smem:$0x3FB3]  }
0x2b: {  	s6 =	sld [smem:$0x3FB4]  }
0x2c: {  	s7 =	sld [smem:$0x3FB5]  }
0x2d: {  	s3 =	simm.s32 $0x108;
	s8 =	sld [smem:$0x3FB6]  }
0x2e: {  	s3 =	simm.s32 @!p0 $0x1082;
	s9 =	sld [smem:$0x3FB7]  }
0x2f: {  	lr =	sadd.s32 s0, s3;
	s0 =	sld [smem:$0x3FAE]  }
0x30: {  	s3 =	sld [smem:$0x3FB1]  }
0x31: {  	[smem:$0x3FBA] =	sst s10  }
0x32: {  	s10 =	sld [smem:$0x3FB8];
	_ =	sdelay $0x3  }
0x33: {  	p0 =	seq.s32 s10, $0x1;
	s10 =	sld [smem:$0x3FBA];
	_ =	sdelay $0x3  }
0x34: {  	[smem:$0x3FBA] =	sst s10  }
0x35: {  	s10 =	sld [smem:$0x3FB9];
	_ =	sdelay $0x3  }
0x36: {  	p1 =	seq.s32 s10, $0x1;
	s10 =	sld [smem:$0x3FBA];
	_ =	sdelay $0x3  }
0x37: {  	[smem:$0x3FBA] =	sst s10  }
0x38: {  	s10 =	sld [smem:$0x3FBB]  }
0x39: {  	_ = 	snop;
	(pc) =	sbr.ind lr, $3  }
0x3a: {  	_ = 	snop  }
0x3b: {  	_ = 	snop  }
0x3c: {  	p2 =	seq.s32 s10, $0x1;
	s10 =	sld [smem:$0x3FBA]  }
0x3d: {  	_ =	shalt  }
0x3e: {  	_ =	shalt  }
0x3f: {  	_ =	shalt  }
0x40: {  	_ =	shalt  }
0x41: {  	_ =	shalt  }
0x42: {  	_ =	shalt  }
0x43: {  	_ =	shalt  }
0x44: {  	_ =	shalt  }
0x45: {  	_ =	shalt  }
0x46: {  	_ =	shalt  }
0x47: {  	_ =	shalt  }
0x48: {  	_ =	shalt  }
0x49: {  	_ =	shalt  }
0x4a: {  	_ =	shalt  }
0x4b: {  	_ =	shalt  }
0x4c: {  	_ =	shalt  }
0x4d: {  	_ =	shalt  }
0x4e: {  	_ =	shalt  }
0x4f: {  	_ =	shalt  }
0x50: {  	_ =	shalt  }
0x51: {  	_ =	shalt  }
0x52: {  	_ =	shalt  }
0x53: {  	_ =	shalt  }
0x54: {  	_ =	shalt  }
0x55: {  	_ =	shalt  }
0x56: {  	_ =	shalt  }
0x57: {  	_ =	shalt  }
0x58: {  	_ =	shalt  }
0x59: {  	_ =	shalt  }
0x5a: {  	_ =	shalt  }
0x5b: {  	_ =	shalt  }
0x5c: {  	_ =	shalt  }
0x5d: {  	_ =	shalt  }
0x5e: {  	_ =	shalt  }
0x5f: {  	_ =	shalt  }
0x60: {  	_ =	shalt  }
0x61: {  	_ =	shalt  }
0x62: {  	_ =	shalt  }
0x63: {  	_ =	shalt  }
0x64: {  	_ =	shalt  }
0x65: {  	_ =	shalt  }
0x66: {  	_ =	shalt  }
0x67: {  	_ =	shalt  }
0x68: {  	_ =	shalt  }
0x69: {  	_ =	shalt  }
0x6a: {  	_ =	shalt  }
0x6b: {  	_ =	shalt  }
0x6c: {  	_ =	shalt  }
0x6d: {  	_ =	shalt  }
0x6e: {  	_ =	shalt  }
0x6f: {  	_ =	shalt  }
0x70: {  	_ =	shalt  }
0x71: {  	_ =	shalt  }
0x72: {  	_ =	shalt  }
0x73: {  	_ =	shalt  }
0x74: {  	_ =	shalt  }
0x75: {  	_ =	shalt  }
0x76: {  	_ =	shalt  }
0x77: {  	_ =	shalt  }
0x78: {  	_ =	shalt  }
0x79: {  	_ =	shalt  }
0x7a: {  	_ =	shalt  }
0x7b: {  	_ =	shalt  }
0x7c: {  	_ =	shalt  }
0x7d: {  	_ =	shalt  }
0x7e: {  	_ =	shalt  }
0x7f: {  	_ =	shalt  }
0x80: {  	_ =	shalt  }
0x81: {  	_ =	shalt  }
0x82: {  	_ =	shalt  }
0x83: {  	_ =	shalt  }
0x84: {  	_ =	shalt  }
0x85: {  	_ =	shalt  }
0x86: {  	_ =	shalt  }
0x87: {  	_ =	shalt  }
.Lfunc_end0:
.L_simem_size_0:
called_computation_lowered:
.L_overlay_start_0:
0x88: {  	s2 =	sld [smem:$0x3FD9]  }
0x89: {  	s3 =	sld [smem:$0x3FFE];
	_ =	sdelay $0x1  }
0x8a: {  	s1 =	srdreg.scid  }
0x8b: {  	s0 =	sand.u32 $0x1, s1  }
0x8c: {  	s16 =	sshll.u32 s0, $0xA;
	s2 =	sadd.s32 s3, s2  }
0x8d: {  	s2 =	sadd.s32 s2, s16  }
0x8e: {  	[smem:$0x3FC6] =	sst s2  }
0x8f: {  	_ = 	snop  }
0x90: {  	(tm) =	ssettm $0x1  }
0x91: {  	s17 =	sld [smem:$0x3FFB];
	_ =	sdelay $0x3  }
0x92: {  	_ =	strace s17  }
0x93: {  	s2 =	sld [smem:$0x3FFC];
	_ =	sdelay $0x3  }
0x94: {  	_ =	strace s2  }
0x95: {  	s2 =	sld [smem:$0x3FFD];
	_ =	sdelay $0x3  }
0x96: {  	_ =	strace s2  }
0x97: {  	_ =	strace $0x8FFFFFFF  }
0x98: {  	s18 =	sld [smem:$0x3FDB];
	_ =	sdelay $0x1  }
0x99: {  	s19 =	simm.s32 $_scs_section_size  }
0x9a: {  	s4 =	simm.s32 $_size__tile_overlayer_lowered;
	s5 =	simm.s32 $_tile_overlayer_lowered  }
0x9b: {  	s22 =	simm.s32 $0x1BFF;
	s21 =	sshll.u32 s5, $0x1;
	s2 =	sadd.s32 s19, s18  }
0x9c: {  	s6 =	simm.s32 $0x0;
	s20 =	sshll.u32 s4, $0x1;
	s4 =	sadd.s32 s21, s2  }
0x9d: {  	[timem:s6], [sflag:s22] =	dma.local [hbm:s4], s20  }
0x9e: {  	_ =	swait.ge [sflag:s22], s20  }
0x9f: {  	s3 =	ssub.s32 $0x0, s20;
	[sflag:s22] =	ssyncset.done $0x0  }
0xa0: {  	[sflag:s22] =	ssyncadd.s32 s3;
	_ =	sdelay $0x1  }
0xa1: {  	s23 =	simm.s32 $0x1B8B  }
0xa2: {  	_ =	swait.ge [sflag:s23], $0x1  }
0xa3: {  	[sflag:s23] =	ssyncset.done $0x0  }
0xa4: {  	s25 =	simm.s32 $0x1B8E;
	s24 =	sld [smem:$0x3FFE];
	[sflag:s23] =	ssyncadd.s32 $0xFFFFFFFF  }
0xa5: {  	s26 =	simm.s32 $execute0_lowered;
	[smem:$0x3FD2] =	sst s25  }
0xa6: {  	s4 =	sshll.u32 s26, $0x1;
	_ =	strace $0x80000046;
	[dreg:$0x1] =	wrdreg $0xFFFFFFFF  }
0xa7: {  	s28 =	simm.s32 $_size_execute0_lowered;
	s2 =	sadd.s32 s2, s4;
	[dreg:$0x0] =	wrdreg $0x0  }
0xa8: {  	s4 =	sshll.u32 s28, $0x1;
	[dreg:$0x2] =	wrdreg s2  }
0xa9: {  	[dreg:$0x3] =	wrdreg s4  }
0xaa: {  	[dreg:$0x4] =	wrdreg $0xC0  }
0xab: {  	_ =	task [dreg:s6], $0x5FFFF  }
0xac: {  	[dreg:$0x1] =	wrdreg $0xFFFFFFFF  }
0xad: {  	[dreg:$0x0] =	wrdreg $0x60  }
0xae: {  	[dreg:$0x2] =	wrdreg s24  }
0xaf: {  	[dreg:$0x3] =	wrdreg $0x9  }
0xb0: {  	_ =	task.clear_ibuf [dreg:s6], $0x4FFFF;
	_ =	strace $0x90000046  }
0xb1: {  	s29 =	simm.s32 $0x9;
	_ =	strace $0x80000048  }
0xb2: {  	_ =	swait.ge [sflag:s29], $0x1  }
0xb3: {  	[sflag:s29] =	ssyncadd.s32 $0xFFFFFFFF  }
0xb4: {  	_ =	strace $0x90000048  }
0xb5: {  	_ =	sfence  }
0xb6: {  	s30 =	sld [smem:$0x0];
	_ =	sdelay $0x2  }
0xb7: {  	s31 =	sshll.u32 s1, $0xD;
	s1 =	sshrl.u32 s1, $0x2  }
0xb8: {  	s3 =	sand.u32 $0x4000, s31;
	s1 =	sadd.s32 s1, s30  }
0xb9: {  	s0 =	sor.u32 s3, s0;
	s1 =	sshll.u32 s1, $0x11  }
0xba: {  	s0 =	sor.u32 s1, s0  }
0xbb: {  	s0 =	sadd.s32 $0x8F2B, s0  }
0xbc: {  	[sflag:s0] =	ssyncadd.remote.s32 $0x1  }
0xbd: {  	_ =	sfence.sel $0xFFFF  }
0xbe: {  	[dreg:$0x0] =	wrdreg $0xFFFFFFFF;
	(pc) =	sbr.abs _section_cstart, $3  }
0xbf: {  	[dreg:$0x1] =	wrdreg $0xFFFFFFFF  }
0xc0: {  	_ =	task.clear_ibuf [dreg:s6], $0x2FFFF;
	_ =	strace $0x9FFFFFFF  }
0xc1: {  	(tm) =	ssettm $0x7FFFFFFF  }
tec
execute0_lowered:
.L_overlay_start_1:
0x0: {  	(tag) =	ssettag $0x1  }
0x1: {  	s4 =	rddreg [dreg:$0x0]  }
0x2: {  	s0 =	rddreg [dreg:$0x1]  }
0x3: {  	s3 =	srdreg.scid;
	s1 =	stileid.u32  }
0x4: {  	s2 =	simm.s32 $0x0;
	s5 =	sand.u32 $0x1, s3;
	s28 =	sshll.u32 s1, $0x1  }
0x5: {  	[smem:$0x7FF] =	sst s2;
	s3 =	sor.u32 s5, s28  }
0x6: {  	s14 =	sshrl.u32 s1, $0x2;
	_ =	strace $0x80000047;
	s6 =	sshll.u32 s3, $0x6  }
0x7: {  	s29 =	sshll.u32 s14, $0xC;
	s3 =	sshll.u32 s3, $0x7;
	s6 =	sadd.s32 s6, s4  }
0x8: {  	s16 =	sand.u32 $0x380, s3;
	s3 =	simm.s32 $0x2;
	s6 =	sadd.s32 $0x800, s6  }
0x9: {  	[tilespmem:s2], [sflag:$0x2] =	stream.linear.gather [hbm4b:s6+s2], $0x200, $0x38;
	[tilespmem:$0x680] =	vst v63  }
0xa: {  	s8 =	simm.s32 $0x80;
	s7 =	sor.u32 s29, s16;
	_ =	swait.ge [sflag:s3], $0x200  }
0xb: {  	s9 =	simm.s32 $0x400;
	s7 =	sshrl.u32 s7, $0x3;
	[sflag:s3] =	ssyncset.done $0x0  }
0xc: {  	s10 =	simm.s32 $0x200;
	s7 =	sadd.s32 s4, s7;
	[sflag:s3] =	ssyncadd.s32 $0xFFFFFE00  }
0xd: {  	[tilespmem:s10], [sflag:$0x2] =	stream.strided.gather [hbm4b:s7+s8], $0x200, s9, s8, $0x38;
	[tilespmem:$0x680] =	vst v63  }
0xe: {  	_ =	swait.ge [sflag:s3], $0x200  }
0xf: {  	[sflag:s3] =	ssyncset.done $0x0  }
0x10: {  	s12 =	simm.s32 $0x1;
	s11 =	sadd.s32 $0x1000, s4;
	[sflag:s3] =	ssyncadd.s32 $0xFFFFFE00  }
0x11: {  	[tilespmem:s9], [sflag:$0x1] =	stream.indirect.gather [hbm4b:s11+s8], $0x1, s2, s8, $0xb8;
	[tilespmem:$0x680] =	vst v63  }
0x12: {  	_ =	swait.ge [sflag:s12], $0x80  }
0x13: {  	[sflag:s12] =	ssyncset.done $0x0  }
0x14: {  	s13 =	simm.s32 $0x480;
	s15 =	simm.s32 $0x500;
	[sflag:s12] =	ssyncadd.s32 $0xFFFFFF80  }
0x15: {  	[tilespmem:s13], [sflag:$0x1] =	stream.indirect.gather [hbm4b:s11+s8], $0x1, s8, s8, $0xb8;
	[tilespmem:$0x680] =	vst v63  }
0x16: {  	s17 =	sshll.u32 s14, $0xA;
	s5 =	ssub.s32 $0x2, s5;
	_ =	swait.ge [sflag:s12], $0x80  }
0x17: {  	s14 =	simm.s32 $0x100;
	s30 =	sshrl.u32 s5, $0x1;
	[sflag:s12] =	ssyncset.done $0x0  }
0x18: {  	s5 =	ssub.s32 s5, s30;
	s16 =	sor.u32 s17, s16;
	[sflag:s12] =	ssyncadd.s32 $0xFFFFFF80  }
0x19: {  	[tilespmem:s15], [sflag:$0x1] =	stream.indirect.gather [hbm4b:s11+s8], $0x1, s14, s8, $0xb8;
	[tilespmem:$0x680] =	vst v63  }
0x1a: {  	s17 =	simm.s32 $0x580;
	s31 =	smax.u32 s5, $0x1;
	_ =	swait.ge [sflag:s12], $0x80  }
0x1b: {  	s18 =	sshrl.u32 s16, $0x3;
	p0 =	sne.s32 s31, $0x1;
	[sflag:s12] =	ssyncset.done $0x0  }
.Ltmp0:
0x1c: {  	s16 =	simm.s32 $0x180;
	[sflag:s12] =	ssyncadd.s32 $0xFFFFFF80;
	(pc) =	sbr.rel @!p0 .LBB2_2-.Ltmp0, $4  }
0x1d: {  	[tilespmem:s17], [sflag:$0x1] =	stream.indirect.gather [hbm4b:s11+s8], $0x1, s16, s8, $0xb8;
	[tilespmem:$0x680] =	vst v63  }
0x1e: {  	_ =	swait.ge [sflag:s12], $0x80  }
0x1f: {  	s5 =	simm.s32 $0x600;
	s4 =	sadd.s32 s18, s4;
	[sflag:s12] =	ssyncset.done $0x0  }
0x20: {  	s18 =	sadd.s32 $0xFFFFFFFF, s31;
	s4 =	sadd.s32 $0x1800, s4;
	[sflag:s12] =	ssyncadd.s32 $0xFFFFFF80  }
.LBB2_1:
0x21: {  	p0 =	sne.s32 s18, $0x1;
	s18 =	sadd.s32 $0xFFFFFFFF, s18;
	v0 =	vld [tilespmem:$0x220]  }
0x22: {  	v1 =	vld [tilespmem:$0x420]  }
0x23: {  	v2 =	vld [tilespmem:$0x410]  }
0x24: {  	v3 =	vld [tilespmem:$0x200]  }
0x25: {  	v4 =	vld [tilespmem:$0x210]  }
0x26: {  	v5 =	vld [tilespmem:$0x400]  }
0x27: {  	v0 =	vsub.f32 v0, v1  }
0x28: {  	v1 =	vld [tilespmem:$0x230]  }
0x29: {  	v6 =	vld [tilespmem:$0x430]  }
0x2a: {  	v2 =	vsub.f32 v4, v2;
	v4 =	vld [tilespmem:$0x440]  }
0x2b: {  	v3 =	vsub.f32 v3, v5;
	v5 =	vld [tilespmem:$0x240]  }
0x2c: {  	v2 =	vmul.f32 v2, v2;
	v7 =	vld [tilespmem:$0x450]  }
0x2d: {  	v3 =	vmul.f32 v3, v3;
	v8 =	vld [tilespmem:$0x250]  }
0x2e: {  	v0 =	vmul.f32 v0, v0;
	v1 =	vsub.f32 v1, v6;
	v6 =	vld [tilespmem:$0x460]  }
0x2f: {  	v2 =	vadd.f32 v2, v3;
	v3 =	vld [tilespmem:$0x260]  }
0x30: {  	v1 =	vmul.f32 v1, v1;
	v4 =	vsub.f32 v5, v4;
	v5 =	vld [tilespmem:$0x470]  }
0x31: {  	v0 =	vadd.f32 v0, v2;
	v2 =	vld [tilespmem:$0x270]  }
0x32: {  	v4 =	vmul.f32 v4, v4;
	v7 =	vsub.f32 v8, v7;
	v8 =	vld [tilespmem:$0x480]  }
0x33: {  	v0 =	vadd.f32 v1, v0;
	v1 =	vld [tilespmem:$0x280]  }
0x34: {  	v7 =	vmul.f32 v7, v7;
	v3 =	vsub.f32 v3, v6;
	v6 =	vld [tilespmem:$0x490]  }
0x35: {  	v0 =	vadd.f32 v4, v0;
	v4 =	vld [tilespmem:$0x290]  }
0x36: {  	v3 =	vmul.f32 v3, v3;
	v2 =	vsub.f32 v2, v5;
	v5 =	vld [tilespmem:$0x4A0]  }
0x37: {  	v0 =	vadd.f32 v7, v0;
	v7 =	vld [tilespmem:$0x2A0]  }
0x38: {  	v2 =	vmul.f32 v2, v2;
	v1 =	vsub.f32 v1, v8;
	v8 =	vld [tilespmem:$0x4B0]  }
0x39: {  	v0 =	vadd.f32 v3, v0;
	v3 =	vld [tilespmem:$0x2B0]  }
0x3a: {  	v1 =	vmul.f32 v1, v1;
	v4 =	vsub.f32 v4, v6;
	v6 =	vld [tilespmem:$0x4C0]  }
0x3b: {  	v0 =	vadd.f32 v2, v0;
	v2 =	vld [tilespmem:$0x2C0]  }
0x3c: {  	v4 =	vmul.f32 v4, v4;
	v5 =	vsub.f32 v7, v5;
	v7 =	vld [tilespmem:$0x4D0]  }
0x3d: {  	v0 =	vadd.f32 v1, v0;
	v1 =	vld [tilespmem:$0x2D0]  }
0x3e: {  	v5 =	vmul.f32 v5, v5;
	v3 =	vsub.f32 v3, v8;
	v8 =	vld [tilespmem:$0x4E0]  }
0x3f: {  	v0 =	vadd.f32 v4, v0;
	v4 =	vld [tilespmem:$0x2E0]  }
0x40: {  	v3 =	vmul.f32 v3, v3;
	v2 =	vsub.f32 v2, v6;
	v6 =	vld [tilespmem:$0x4F0]  }
0x41: {  	v0 =	vadd.f32 v5, v0;
	v5 =	vld [tilespmem:$0x2F0]  }
0x42: {  	v2 =	vmul.f32 v2, v2;
	v1 =	vsub.f32 v1, v7;
	v7 =	vld [tilespmem:$0x500]  }
0x43: {  	v0 =	vadd.f32 v3, v0;
	v3 =	vld [tilespmem:$0x300]  }
0x44: {  	v1 =	vmul.f32 v1, v1;
	v4 =	vsub.f32 v4, v8;
	v8 =	vld [tilespmem:$0x510]  }
0x45: {  	v0 =	vadd.f32 v2, v0;
	v2 =	vld [tilespmem:$0x310]  }
0x46: {  	v4 =	vmul.f32 v4, v4;
	v5 =	vsub.f32 v5, v6;
	v6 =	vld [tilespmem:$0x520]  }
0x47: {  	v0 =	vadd.f32 v1, v0;
	v1 =	vld [tilespmem:$0x320]  }
0x48: {  	v5 =	vmul.f32 v5, v5;
	v3 =	vsub.f32 v3, v7;
	v7 =	vld [tilespmem:$0x530]  }
0x49: {  	v0 =	vadd.f32 v4, v0;
	v4 =	vld [tilespmem:$0x330]  }
0x4a: {  	v3 =	vmul.f32 v3, v3;
	v2 =	vsub.f32 v2, v8;
	v8 =	vld [tilespmem:$0x540]  }
0x4b: {  	v0 =	vadd.f32 v5, v0;
	v5 =	vld [tilespmem:$0x340]  }
0x4c: {  	v2 =	vmul.f32 v2, v2;
	v1 =	vsub.f32 v1, v6;
	v6 =	vld [tilespmem:$0x550]  }
0x4d: {  	v0 =	vadd.f32 v3, v0;
	v3 =	vld [tilespmem:$0x350]  }
0x4e: {  	v1 =	vmul.f32 v1, v1;
	v4 =	vsub.f32 v4, v7;
	v7 =	vld [tilespmem:$0x560]  }
0x4f: {  	v0 =	vadd.f32 v2, v0;
	v2 =	vld [tilespmem:$0x360]  }
0x50: {  	v4 =	vmul.f32 v4, v4;
	v5 =	vsub.f32 v5, v8;
	v8 =	vld [tilespmem:$0x570]  }
0x51: {  	v0 =	vadd.f32 v1, v0;
	v1 =	vld [tilespmem:$0x370]  }
0x52: {  	v5 =	vmul.f32 v5, v5;
	v3 =	vsub.f32 v3, v6;
	v6 =	vld [tilespmem:$0x580]  }
0x53: {  	v0 =	vadd.f32 v4, v0;
	v4 =	vld [tilespmem:$0x380]  }
0x54: {  	v3 =	vmul.f32 v3, v3;
	v2 =	vsub.f32 v2, v7;
	v7 =	vld [tilespmem:$0x590]  }
0x55: {  	v0 =	vadd.f32 v5, v0;
	v5 =	vld [tilespmem:$0x390]  }
0x56: {  	v2 =	vmul.f32 v2, v2;
	v1 =	vsub.f32 v1, v8;
	v8 =	vld [tilespmem:$0x5A0]  }
0x57: {  	v0 =	vadd.f32 v3, v0;
	v3 =	vld [tilespmem:$0x3A0]  }
0x58: {  	v1 =	vmul.f32 v1, v1;
	v4 =	vsub.f32 v4, v6;
	v6 =	vld [tilespmem:$0x5B0]  }
0x59: {  	v0 =	vadd.f32 v2, v0;
	v2 =	vld [tilespmem:$0x3B0]  }
0x5a: {  	v4 =	vmul.f32 v4, v4;
	v5 =	vsub.f32 v5, v7;
	v7 =	vld [tilespmem:$0x5C0]  }
0x5b: {  	v0 =	vadd.f32 v1, v0;
	v1 =	vld [tilespmem:$0x3C0]  }
0x5c: {  	v5 =	vmul.f32 v5, v5;
	v3 =	vsub.f32 v3, v8;
	v8 =	vld [tilespmem:$0x5D0]  }
0x5d: {  	v0 =	vadd.f32 v4, v0;
	v4 =	vld [tilespmem:$0x3D0]  }
0x5e: {  	v3 =	vmul.f32 v3, v3;
	v2 =	vsub.f32 v2, v6;
	v6 =	vld [tilespmem:$0x5E0]  }
0x5f: {  	v0 =	vadd.f32 v5, v0;
	v5 =	vld [tilespmem:$0x3E0]  }
0x60: {  	v2 =	vmul.f32 v2, v2;
	v1 =	vsub.f32 v1, v7;
	v7 =	vld [tilespmem:$0x5F0]  }
0x61: {  	v0 =	vadd.f32 v3, v0;
	v3 =	vld [tilespmem:$0x3F0]  }
0x62: {  	v1 =	vmul.f32 v1, v1;
	v4 =	vsub.f32 v4, v8  }
0x63: {  	v0 =	vadd.f32 v2, v0  }
0x64: {  	v2 =	vmul.f32 v4, v4;
	v4 =	vsub.f32 v5, v6  }
0x65: {  	v0 =	vadd.f32 v1, v0  }
0x66: {  	v1 =	vmul.f32 v4, v4;
	v3 =	vsub.f32 v3, v7  }
0x67: {  	v0 =	vadd.f32 v2, v0  }
0x68: {  	v2 =	vmul.f32 v3, v3  }
0x69: {  	v0 =	vadd.f32 v1, v0;
	_ =	sdelay $0x1  }
0x6a: {  	v0 =	vadd.f32 v2, v0;
	_ =	sdelay $0x1  }
0x6b: {  	[tilespmem:$0x600] =	vst v0  }
0x6c: {  	[hbm4b:s4+s2] =	stream.linear.scatter [tilespmem:s5], [sflag:$0x2], $0x80, $0x38;
	[tilespmem:$0x680] =	vst v63  }
0x6d: {  	_ =	swait.ge [sflag:s3], $0x80  }
0x6e: {  	[sflag:s3] =	ssyncset.done $0x0  }
0x6f: {  	[sflag:s3] =	ssyncadd.s32 $0xFFFFFF80  }
0x70: {  	[tilespmem:s2], [sflag:$0x2] =	stream.linear.gather [hbm4b:s6+s2], $0x200, $0x38;
	[tilespmem:$0x680] =	vst v63  }
0x71: {  	_ =	swait.ge [sflag:s3], $0x200  }
0x72: {  	[sflag:s3] =	ssyncset.done $0x0  }
0x73: {  	[sflag:s3] =	ssyncadd.s32 $0xFFFFFE00  }
0x74: {  	[tilespmem:s10], [sflag:$0x2] =	stream.strided.gather [hbm4b:s7+s8], $0x200, s9, s8, $0x38;
	[tilespmem:$0x680] =	vst v63  }
0x75: {  	_ =	swait.ge [sflag:s3], $0x200  }
0x76: {  	[sflag:s3] =	ssyncset.done $0x0  }
0x77: {  	[sflag:s3] =	ssyncadd.s32 $0xFFFFFE00  }
0x78: {  	[tilespmem:s9], [sflag:$0x1] =	stream.indirect.gather [hbm4b:s11+s8], $0x1, s2, s8, $0xb8;
	[tilespmem:$0x680] =	vst v63  }
0x79: {  	_ =	swait.ge [sflag:s12], $0x80  }
0x7a: {  	[sflag:s12] =	ssyncset.done $0x0  }
0x7b: {  	[sflag:s12] =	ssyncadd.s32 $0xFFFFFF80  }
0x7c: {  	[tilespmem:s13], [sflag:$0x1] =	stream.indirect.gather [hbm4b:s11+s8], $0x1, s8, s8, $0xb8;
	[tilespmem:$0x680] =	vst v63  }
0x7d: {  	_ =	swait.ge [sflag:s12], $0x80  }
0x7e: {  	[sflag:s12] =	ssyncset.done $0x0  }
0x7f: {  	[sflag:s12] =	ssyncadd.s32 $0xFFFFFF80  }
0x80: {  	[tilespmem:s15], [sflag:$0x1] =	stream.indirect.gather [hbm4b:s11+s8], $0x1, s14, s8, $0xb8;
	[tilespmem:$0x680] =	vst v63  }
0x81: {  	_ =	swait.ge [sflag:s12], $0x80  }
0x82: {  	[sflag:s12] =	ssyncset.done $0x0  }
.Ltmp1:
0x83: {  	[sflag:s12] =	ssyncadd.s32 $0xFFFFFF80;
	(pc) =	sbr.rel @p0 .LBB2_1-.Ltmp1, $4  }
0x84: {  	[tilespmem:s17], [sflag:$0x1] =	stream.indirect.gather [hbm4b:s11+s8], $0x1, s16, s8, $0xb8;
	[tilespmem:$0x680] =	vst v63  }
0x85: {  	_ =	swait.ge [sflag:s12], $0x80  }
0x86: {  	[sflag:s12] =	ssyncset.done $0x0  }
0x87: {  	[sflag:s12] =	ssyncadd.s32 $0xFFFFFF80  }
.LBB2_2:
0x88: {  	v0 =	vld [tilespmem:$0x410]  }
0x89: {  	v1 =	vld [tilespmem:$0x200]  }
0x8a: {  	v2 =	vld [tilespmem:$0x210]  }
0x8b: {  	v3 =	vld [tilespmem:$0x400]  }
0x8c: {  	v4 =	vld [tilespmem:$0x220]  }
0x8d: {  	v5 =	vld [tilespmem:$0x420]  }
0x8e: {  	v6 =	vld [tilespmem:$0x230]  }
0x8f: {  	v7 =	vld [tilespmem:$0x430]  }
0x90: {  	v60 =	vld [tilespmem:$0x440];
	v0 =	vsub.f32 v2, v0;
	v1 =	vsub.f32 v1, v3  }
0x91: {  	v61 =	vld [tilespmem:$0x240]  }
0x92: {  	v62 =	vld [tilespmem:$0x450];
	v4 =	vsub.f32 v4, v5;
	v0 =	vmul.f32 v0, v0;
	v1 =	vmul.f32 v1, v1  }
0x93: {  	v8 =	vld [tilespmem:$0x250]  }
0x94: {  	v63 =	vld [tilespmem:$0x460];
	v6 =	vsub.f32 v6, v7;
	v4 =	vmul.f32 v4, v4;
	v0 =	vadd.f32 v0, v1  }
0x95: {  	v12 =	vld [tilespmem:$0x260]  }
0x96: {  	v13 =	vld [tilespmem:$0x470];
	v2 =	vsub.f32 v61, v60;
	v6 =	vmul.f32 v6, v6;
	v0 =	vadd.f32 v4, v0  }
0x97: {  	v14 =	vld [tilespmem:$0x270]  }
0x98: {  	v15 =	vld [tilespmem:$0x480];
	v5 =	vsub.f32 v8, v62;
	v2 =	vmul.f32 v2, v2;
	v0 =	vadd.f32 v6, v0  }
0x99: {  	v16 =	vld [tilespmem:$0x280]  }
0x9a: {  	v17 =	vld [tilespmem:$0x490];
	v5 =	vmul.f32 v5, v5;
	v1 =	vsub.f32 v12, v63;
	v0 =	vadd.f32 v2, v0  }
0x9b: {  	v18 =	vld [tilespmem:$0x290]  }
0x9c: {  	v19 =	vld [tilespmem:$0x4A0];
	v3 =	vsub.f32 v14, v13;
	v1 =	vmul.f32 v1, v1;
	v0 =	vadd.f32 v5, v0  }
0x9d: {  	v20 =	vld [tilespmem:$0x2A0]  }
0x9e: {  	v21 =	vld [tilespmem:$0x4B0];
	v3 =	vmul.f32 v3, v3;
	v6 =	vsub.f32 v16, v15;
	v0 =	vadd.f32 v1, v0  }
0x9f: {  	v22 =	vld [tilespmem:$0x2B0]  }
0xa0: {  	v23 =	vld [tilespmem:$0x4C0];
	v6 =	vmul.f32 v6, v6;
	v2 =	vsub.f32 v18, v17;
	v0 =	vadd.f32 v3, v0  }
0xa1: {  	v24 =	vld [tilespmem:$0x2C0]  }
0xa2: {  	v25 =	vld [tilespmem:$0x4D0];
	v4 =	vsub.f32 v20, v19;
	v2 =	vmul.f32 v2, v2;
	v0 =	vadd.f32 v6, v0  }
0xa3: {  	v26 =	vld [tilespmem:$0x2D0]  }
0xa4: {  	v27 =	vld [tilespmem:$0x4E0];
	v4 =	vmul.f32 v4, v4;
	v1 =	vsub.f32 v22, v21;
	v0 =	vadd.f32 v2, v0  }
0xa5: {  	v28 =	vld [tilespmem:$0x2E0]  }
0xa6: {  	v29 =	vld [tilespmem:$0x4F0];
	v1 =	vmul.f32 v1, v1;
	v3 =	vsub.f32 v24, v23;
	v0 =	vadd.f32 v4, v0  }
0xa7: {  	v30 =	vld [tilespmem:$0x2F0]  }
0xa8: {  	v31 =	vld [tilespmem:$0x500];
	v5 =	vsub.f32 v26, v25;
	v3 =	vmul.f32 v3, v3;
	v0 =	vadd.f32 v1, v0  }
0xa9: {  	v32 =	vld [tilespmem:$0x300]  }
0xaa: {  	v33 =	vld [tilespmem:$0x510];
	v5 =	vmul.f32 v5, v5;
	v2 =	vsub.f32 v28, v27;
	v0 =	vadd.f32 v3, v0  }
0xab: {  	v34 =	vld [tilespmem:$0x310]  }
0xac: {  	v35 =	vld [tilespmem:$0x520];
	v2 =	vmul.f32 v2, v2;
	v4 =	vsub.f32 v30, v29;
	v0 =	vadd.f32 v5, v0  }
0xad: {  	v36 =	vld [tilespmem:$0x320]  }
0xae: {  	v37 =	vld [tilespmem:$0x530];
	v4 =	vmul.f32 v4, v4;
	v1 =	vsub.f32 v32, v31;
	v0 =	vadd.f32 v2, v0  }
0xaf: {  	v38 =	vld [tilespmem:$0x330]  }
0xb0: {  	v39 =	vld [tilespmem:$0x540];
	v1 =	vmul.f32 v1, v1;
	v3 =	vsub.f32 v34, v33;
	v0 =	vadd.f32 v4, v0  }
0xb1: {  	v40 =	vld [tilespmem:$0x340]  }
0xb2: {  	v41 =	vld [tilespmem:$0x550];
	v3 =	vmul.f32 v3, v3;
	v5 =	vsub.f32 v36, v35;
	v0 =	vadd.f32 v1, v0  }
0xb3: {  	v42 =	vld [tilespmem:$0x350]  }
0xb4: {  	v43 =	vld [tilespmem:$0x560];
	v5 =	vmul.f32 v5, v5;
	v2 =	vsub.f32 v38, v37;
	v0 =	vadd.f32 v3, v0  }
0xb5: {  	v44 =	vld [tilespmem:$0x360]  }
0xb6: {  	v45 =	vld [tilespmem:$0x570];
	v2 =	vmul.f32 v2, v2;
	v4 =	vsub.f32 v40, v39;
	v0 =	vadd.f32 v5, v0  }
0xb7: {  	v46 =	vld [tilespmem:$0x370]  }
0xb8: {  	v47 =	vld [tilespmem:$0x580];
	v4 =	vmul.f32 v4, v4;
	v1 =	vsub.f32 v42, v41;
	v0 =	vadd.f32 v2, v0  }
0xb9: {  	v48 =	vld [tilespmem:$0x380]  }
0xba: {  	v49 =	vld [tilespmem:$0x590];
	v1 =	vmul.f32 v1, v1;
	v3 =	vsub.f32 v44, v43;
	v0 =	vadd.f32 v4, v0  }
0xbb: {  	v50 =	vld [tilespmem:$0x390]  }
0xbc: {  	v51 =	vld [tilespmem:$0x5A0];
	v3 =	vmul.f32 v3, v3;
	v5 =	vsub.f32 v46, v45;
	v0 =	vadd.f32 v1, v0  }
0xbd: {  	v52 =	vld [tilespmem:$0x3A0]  }
0xbe: {  	v53 =	vld [tilespmem:$0x5B0];
	v5 =	vmul.f32 v5, v5;
	v2 =	vsub.f32 v48, v47;
	v0 =	vadd.f32 v3, v0  }
0xbf: {  	v54 =	vld [tilespmem:$0x3B0]  }
0xc0: {  	v55 =	vld [tilespmem:$0x5C0];
	v2 =	vmul.f32 v2, v2;
	v4 =	vsub.f32 v50, v49;
	v0 =	vadd.f32 v5, v0  }
0xc1: {  	v56 =	vld [tilespmem:$0x3C0]  }
0xc2: {  	v57 =	vld [tilespmem:$0x5D0];
	v4 =	vmul.f32 v4, v4;
	v1 =	vsub.f32 v52, v51;
	v0 =	vadd.f32 v2, v0  }
0xc3: {  	v58 =	vld [tilespmem:$0x3D0]  }
0xc4: {  	v59 =	vld [tilespmem:$0x5E0];
	v1 =	vmul.f32 v1, v1;
	v3 =	vsub.f32 v54, v53;
	v0 =	vadd.f32 v4, v0  }
0xc5: {  	v60 =	vld [tilespmem:$0x3E0]  }
0xc6: {  	v61 =	vld [tilespmem:$0x5F0];
	v3 =	vmul.f32 v3, v3;
	v5 =	vsub.f32 v56, v55;
	v0 =	vadd.f32 v1, v0  }
0xc7: {  	v62 =	vld [tilespmem:$0x3F0]  }
0xc8: {  	v5 =	vmul.f32 v5, v5;
	v2 =	vsub.f32 v58, v57;
	v0 =	vadd.f32 v3, v0;
	_ =	sdelay $0x1  }
0xc9: {  	v63 =	vsub.f32 v60, v59;
	v2 =	vmul.f32 v2, v2;
	v0 =	vadd.f32 v5, v0;
	_ =	sdelay $0x1  }
0xca: {  	v1 =	vsub.f32 v62, v61;
	v3 =	vmul.f32 v63, v63;
	v0 =	vadd.f32 v2, v0;
	_ =	sdelay $0x1  }
0xcb: {  	v1 =	vmul.f32 v1, v1;
	v0 =	vadd.f32 v3, v0;
	_ =	sdelay $0x1  }
0xcc: {  	v0 =	vadd.f32 v1, v0;
	_ =	sdelay $0x1  }
0xcd: {  	[tilespmem:$0x600] =	vst v0  }
0xce: {  	[hbm4b:s4+s2] =	stream.linear.scatter [tilespmem:s5], [sflag:$0x2], $0x80, $0x38;
	[tilespmem:$0x680] =	vst v63  }
0xcf: {  	_ =	swait.ge [sflag:s3], $0x80  }
0xd0: {  	[sflag:s3] =	ssyncset.done $0x0  }
0xd1: {  	[sflag:s3] =	ssyncadd.s32 $0xFFFFFF80  }
0xd2: {  	_ =	sfence.sel $0x180000  }
0xd3: {  	[bflag:$0x0] =	sbarrier.arrive $0xFFFF  }
0xd4: {  	p0 =	sne.s32 s1, $0x0;
	_ =	strace $0x90000047  }
0xd5: {  	s0 =	sadd.s32 @!p0 $0x100000, s0;
	[bflag:$0x2] =	sbarrier.arrive $0xFFFF  }
0xd6: {  	[sflag:s0] =	ssyncadd.tile.s32 @!p0 $0x1;
	_ =	shalt  }
.Lfunc_end2:
_tile_overlayer_lowered:
.L_overlay_start_2:
0xd7: {  	(tag) =	ssettag $0x2  }
0xd8: {  	s0 =	rddreg [dreg:$0x0];
	s2 =	stileid.u32  }
0xd9: {  	s1 =	rddreg [dreg:$0x1];
	p0 =	sne.s32 s2, $0x0  }
0xda: {  	s3 =	rddreg [dreg:$0x2];
	[bflag:$0x3] =	sbarrier.arrive $0xFFFF;
	s2 =	simm.s32 @!p0 $0x1C02  }
0xdb: {  	[timem:s3], [sflag:s2] =	dma.local @!p0 [hbm:s0], s1  }
0xdc: {  	s0 =	simm.s32 @!p0 $0x2  }
0xdd: {  	_ =	swait.ge @!p0 [sflag:s0], s1  }
0xde: {  	s1 =	ssub.s32 @!p0 $0x0, s1;
	[sflag:s0] =	ssyncset.done @!p0 $0x0  }
0xdf: {  	[sflag:s0] =	ssyncadd.s32 @!p0 s1  }
0xe0: {  	[bflag:$0x3] =	sbarrier.arrive $0xFFFF  }
0xe1: {  	_ =	shalt  }

</sc_bundles>
